<compile_context>
chip_gen: v7x
topology: tpu7x:2x2x1
jax: 0.10.2.dev20260603
libtpu: 0.0.44.dev20260713+nightly
codegen_flags: <defaults>
</compile_context>

<pallas_src>
import functools

import jax
import jax.numpy as jnp
from jax import lax
from jax.experimental import pallas as pl
from jax.experimental.pallas import tpu as pltpu
from jax.experimental.pallas import tpu_sc as plsc

_N = 10000
_E = 320000
_D = 128

_NC = 2
_NS = 16
_NW = _NC * _NS
_EPW = _E // _NW
_C = 80
_NCHUNK = _EPW // _C
_NP = 10240
_RPT = _NP // _NS
_ZR = 128


def _agg_body(ei_hbm, x_hbm, out_hbm, acc, *sems):
    pl.run_scoped(
        functools.partial(_agg_inner, ei_hbm, x_hbm, out_hbm, acc, sems),
        *([pltpu.VMEM((_C,), jnp.int32)] * 12),
        pltpu.VMEM((_C, _D), jnp.float32),
        pltpu.VMEM((_C, _D), jnp.float32),
        pltpu.VMEM((_C, _D), jnp.float32),
    )


def _agg_inner(ei_hbm, x_hbm, out_hbm, acc, sems, *bufs):
    cid = lax.axis_index("c")
    sid = lax.axis_index("s")
    wid = cid * _NS + sid
    sidx = bufs[0:6]
    didx = bufs[6:12]
    rows = bufs[12:15]
    isem = sems[0:6]
    gsem = sems[6:9]
    ssem = sems[9:12]
    ebase = wid * _EPW

    def _idx_load(i, q):
        off = ebase + i * _C
        pltpu.async_copy(ei_hbm.at[pl.ds(off, _C)], sidx[q], isem[q])
        pltpu.async_copy(ei_hbm.at[pl.ds(_E + off, _C)], didx[q], isem[q])

    def _idx_wait(q):
        pltpu.make_async_copy(ei_hbm.at[pl.ds(0, _C)], sidx[q], isem[q]).wait()
        pltpu.make_async_copy(ei_hbm.at[pl.ds(0, _C)], didx[q], isem[q]).wait()

    def _gather(a, q):
        pltpu.async_copy(x_hbm.at[sidx[q]], rows[a], gsem[a])

    def _gather_wait(a, q):
        pltpu.make_async_copy(x_hbm.at[sidx[q]], rows[a], gsem[a]).wait()

    def _scatter(a, q):
        pltpu.async_copy(rows[a], acc.at[didx[q]], ssem[a], add=True)

    def _scatter_wait(a, q):
        pltpu.make_async_copy(rows[a], acc.at[didx[q]], ssem[a]).wait()

    _idx_load(0, 0)
    _idx_load(1, 1)
    _idx_load(2, 2)
    zvec = jnp.zeros((16,), jnp.float32)

    def _zrow(r, carry):
        for g in range(_D // 16):
            rows[2][r, pl.ds(g * 16, 16)] = zvec
        return carry

    lax.fori_loop(0, _C, _zrow, 0)
    rbase = sid * _RPT
    _idx_wait(0)
    _gather(0, 0)
    _idx_wait(1)
    _gather(1, 1)
    for i in range(_RPT // _C):
        pltpu.sync_copy(rows[2], acc.at[pl.ds(rbase + i * _C, _C)])
    plsc.subcore_barrier()

    def _step(i, k, first=False):
        a, q = k % 3, k % 6
        _idx_load(jnp.minimum(i + 3, _NCHUNK - 1), (k + 3) % 6)
        _gather_wait(a, q)
        if not first:
            _scatter_wait((k + 2) % 3, (k + 5) % 6)
        _scatter(a, q)
        _idx_wait((k + 2) % 6)
        _gather((k + 2) % 3, (k + 2) % 6)

    _step(jnp.int32(0), 0, first=True)
    _step(jnp.int32(1), 1)
    _step(jnp.int32(2), 2)
    _step(jnp.int32(3), 3)
    _step(jnp.int32(4), 4)

    def _hex_body(j, carry):
        i = 6 * j + 5
        for k in range(6):
            _step(i + k, 5 + k)
        return carry

    lax.fori_loop(0, (_NCHUNK - 5) // 6, _hex_body, 0)
    _scatter_wait(1, 4)
    _gather_wait(2, 5)
    _gather_wait(0, 0)
    _idx_wait(1)
    plsc.subcore_barrier()

    pltpu.sync_copy(acc.at[pl.ds(rbase, _RPT)], out_hbm.at[cid, pl.ds(rbase, _RPT)])


@jax.jit
def _aggregate(ei, x):
    k = functools.partial(
        pl.kernel,
        mesh=plsc.VectorSubcoreMesh(core_axis_name="c", subcore_axis_name="s"),
        out_type=jax.ShapeDtypeStruct((_NC, _NP, _D), jnp.float32),
        scratch_types=[
            pltpu.VMEM_SHARED((_NP, _D), jnp.float32),
        ] + [pltpu.SemaphoreType.DMA] * 12,
    )(_agg_body)
    return k(ei, x)


def _mm_body(p_ref, w_ref, o_ref):
    s = p_ref[0] + p_ref[1]
    o_ref[...] = jnp.maximum(
        jnp.dot(s, w_ref[...], preferred_element_type=jnp.float32), 0.0
    )


_BLK = 5120


@jax.jit
def _matmul_relu(partials, W):
    return pl.pallas_call(
        _mm_body,
        grid=(_NP // _BLK,),
        in_specs=[
            pl.BlockSpec((_NC, _BLK, _D), lambda i: (0, i, 0)),
            pl.BlockSpec((_D, _D), lambda i: (0, 0)),
        ],
        out_specs=pl.BlockSpec((_BLK, _D), lambda i: (i, 0)),
        out_shape=jax.ShapeDtypeStruct((_N, _D), jnp.float32),
    )(partials, W)


def kernel(x, edge_index, W):
    ei = edge_index.astype(jnp.int32).reshape(2 * _E)
    partials = _aggregate(ei, x)
    return _matmul_relu(partials, W)

# --- scband reference (transcript-rebuilt; emitter-appended) ---
"""Pipeline reference for scband-graph-convolution-sparse-82351702933664 (READ-ONLY COPY).

The authoritative reference and input builder live on the scoring server;
editing this copy changes nothing except your own understanding.
"""

import jax, jax.numpy as jnp
import numpy as np

N = 10000
E = 320000
D_IN = 128
D_OUT = 128

def setup_inputs(seed: int = 0) -> dict:
    key = jax.random.key(seed)
    k1, k2, k3 = jax.random.split(key, 3)
    x = jax.random.normal(k1, (N, D_IN), dtype=jnp.float32)
    edge_index = jax.random.randint(k2, (2, E), 0, N, dtype=jnp.int64)
    init_range = float(np.sqrt(6.0 / (D_IN + D_OUT)))
    W = jax.random.uniform(k3, (D_IN, D_OUT), minval=-init_range, maxval=init_range, dtype=jnp.float32)
    return {"x": x, "edge_index": edge_index, "W": W}

def reference(x, edge_index, W):
    # dropout = 0 -> keep_prob = 1.0: in the original dropout_sparse,
    # random_tensor = 1.0 + U[0,1), floor(...) = 1 for all elements, so the
    # mask keeps every nonzero and scales values by 1/keep_prob = 1.0.
    # Hence the sparse dropout is the identity and x passes through unchanged.
    h = x @ W  # sparse.mm(x, weights) with x's values dense-materialized
    src = edge_index[0]
    dst = edge_index[1]
    # sparse.mm(adjacenyMatrix, h): binary adjacency -> gather rows from
    # source nodes and scatter-add into destination nodes.
    msg = jnp.take(h, src, axis=0)
    agg = jax.ops.segment_sum(msg, dst, num_segments=N)
    return jax.nn.relu(agg)

if __name__ == "__main__":
    import jax
    _d = setup_inputs()
    print(jax.jit(kernel)(*tuple(_d.values())))

</pallas_src>

<mosaic_0001>
#map = affine_map<(d0, d1) -> (0)>
#map1 = affine_map<(d0, d1) -> (0, 0)>
#map2 = affine_map<(d0, d1) -> (0, 0, 0)>
module attributes {stable_mosaic.version = 14 : i64} {
  func.func @_agg_body(%arg0: i32, %arg1: i32, %arg2: memref<640000xi32, #tpu.memory_space<hbm>>, %arg3: memref<10000x128xf32, #tpu.memory_space<hbm>>, %arg4: memref<2x10240x128xf32, #tpu.memory_space<hbm>>, %arg5: memref<10240x128xf32, #tpu.memory_space<vmem_shared>>, %arg6: memref<!tpu.dma_semaphore, #tpu.memory_space<semaphore_mem>>, %arg7: memref<!tpu.dma_semaphore, #tpu.memory_space<semaphore_mem>>, %arg8: memref<!tpu.dma_semaphore, #tpu.memory_space<semaphore_mem>>, %arg9: memref<!tpu.dma_semaphore, #tpu.memory_space<semaphore_mem>>, %arg10: memref<!tpu.dma_semaphore, #tpu.memory_space<semaphore_mem>>, %arg11: memref<!tpu.dma_semaphore, #tpu.memory_space<semaphore_mem>>, %arg12: memref<!tpu.dma_semaphore, #tpu.memory_space<semaphore_mem>>, %arg13: memref<!tpu.dma_semaphore, #tpu.memory_space<semaphore_mem>>, %arg14: memref<!tpu.dma_semaphore, #tpu.memory_space<semaphore_mem>>, %arg15: memref<!tpu.dma_semaphore, #tpu.memory_space<semaphore_mem>>, %arg16: memref<!tpu.dma_semaphore, #tpu.memory_space<semaphore_mem>>, %arg17: memref<!tpu.dma_semaphore, #tpu.memory_space<semaphore_mem>>) attributes {dimension_semantics = [#tpu.dimension_semantics<core_parallel>, #tpu.dimension_semantics<subcore_parallel>], iteration_bounds = array<i64: 2, 16>, scalar_prefetch = 0 : i64, scratch_operands = 13 : i64, tpu.core_type = #tpu.core_type<sc_vector_subcore>, window_params = [{transform_indices = #map}, {transform_indices = #map1}, {transform_indices = #map2}]} {
    "tpu.region"() ({
      %run_scoped3A = memref.alloca() : memref<80xi32, #tpu.memory_space<vmem>>
      %run_scoped3A_0 = memref.alloca() : memref<80xi32, #tpu.memory_space<vmem>>
      %run_scoped3A_1 = memref.alloca() : memref<80xi32, #tpu.memory_space<vmem>>
      %run_scoped3A_2 = memref.alloca() : memref<80xi32, #tpu.memory_space<vmem>>
      %run_scoped3A_3 = memref.alloca() : memref<80xi32, #tpu.memory_space<vmem>>
      %run_scoped3A_4 = memref.alloca() : memref<80xi32, #tpu.memory_space<vmem>>
      %run_scoped3A_5 = memref.alloca() : memref<80xi32, #tpu.memory_space<vmem>>
      %run_scoped3A_6 = memref.alloca() : memref<80xi32, #tpu.memory_space<vmem>>
      %run_scoped3A_7 = memref.alloca() : memref<80xi32, #tpu.memory_space<vmem>>
      %run_scoped3A_8 = memref.alloca() : memref<80xi32, #tpu.memory_space<vmem>>
      %run_scoped3A_9 = memref.alloca() : memref<80xi32, #tpu.memory_space<vmem>>
      %run_scoped3A_10 = memref.alloca() : memref<80xi32, #tpu.memory_space<vmem>>
      %run_scoped3A_11 = memref.alloca() : memref<80x128xf32, #tpu.memory_space<vmem>>
      %run_scoped3A_12 = memref.alloca() : memref<80x128xf32, #tpu.memory_space<vmem>>
      %run_scoped3A_13 = memref.alloca() : memref<80x128xf32, #tpu.memory_space<vmem>>
      %mul3A = arith.constant 16 : i32
      %mul3A_14 = arith.muli %arg0, %mul3A : i32
      %add3A = arith.addi %mul3A_14, %arg1 : i32
      %mul3A_15 = arith.constant 10000 : i32
      %mul3A_16 = arith.muli %add3A, %mul3A_15 : i32
      %add3A_17 = arith.constant 0 : i32
      %add3A_18 = arith.addi %mul3A_16, %add3A_17 : i32
      %dma_start3A = tpu.memref_slice %arg2[%add3A_18] : memref<640000xi32, #tpu.memory_space<hbm>> -> memref<80xi32, #tpu.memory_space<hbm>>
      %dma_start3A_19 = tpu.memref_slice %arg2[%add3A_18] : memref<640000xi32, #tpu.memory_space<hbm>> -> memref<80xi32, #tpu.memory_space<hbm>>
      tpu.enqueue_dma source(%dma_start3A_19 : memref<80xi32, #tpu.memory_space<hbm>>) target(%run_scoped3A : memref<80xi32, #tpu.memory_space<vmem>>) target_semaphore(%arg6 : memref<!tpu.dma_semaphore, #tpu.memory_space<semaphore_mem>>)
      %add3A_20 = arith.constant 320000 : i32
      %add3A_21 = arith.addi %add3A_20, %add3A_18 : i32
      %dma_start3A_22 = tpu.memref_slice %arg2[%add3A_21] : memref<640000xi32, #tpu.memory_space<hbm>> -> memref<80xi32, #tpu.memory_space<hbm>>
      %dma_start3A_23 = tpu.memref_slice %arg2[%add3A_21] : memref<640000xi32, #tpu.memory_space<hbm>> -> memref<80xi32, #tpu.memory_space<hbm>>
      tpu.enqueue_dma source(%dma_start3A_23 : memref<80xi32, #tpu.memory_space<hbm>>) target(%run_scoped3A_5 : memref<80xi32, #tpu.memory_space<vmem>>) target_semaphore(%arg6 : memref<!tpu.dma_semaphore, #tpu.memory_space<semaphore_mem>>)
      %add3A_24 = arith.constant 80 : i32
      %add3A_25 = arith.addi %mul3A_16, %add3A_24 : i32
      %dma_start3A_26 = tpu.memref_slice %arg2[%add3A_25] : memref<640000xi32, #tpu.memory_space<hbm>> -> memref<80xi32, #tpu.memory_space<hbm>>
      %dma_start3A_27 = tpu.memref_slice %arg2[%add3A_25] : memref<640000xi32, #tpu.memory_space<hbm>> -> memref<80xi32, #tpu.memory_space<hbm>>
      tpu.enqueue_dma source(%dma_start3A_27 : memref<80xi32, #tpu.memory_space<hbm>>) target(%run_scoped3A_0 : memref<80xi32, #tpu.memory_space<vmem>>) target_semaphore(%arg7 : memref<!tpu.dma_semaphore, #tpu.memory_space<semaphore_mem>>)
      %add3A_28 = arith.constant 320000 : i32
      %add3A_29 = arith.addi %add3A_28, %add3A_25 : i32
      %dma_start3A_30 = tpu.memref_slice %arg2[%add3A_29] : memref<640000xi32, #tpu.memory_space<hbm>> -> memref<80xi32, #tpu.memory_space<hbm>>
      %dma_start3A_31 = tpu.memref_slice %arg2[%add3A_29] : memref<640000xi32, #tpu.memory_space<hbm>> -> memref<80xi32, #tpu.memory_space<hbm>>
      tpu.enqueue_dma source(%dma_start3A_31 : memref<80xi32, #tpu.memory_space<hbm>>) target(%run_scoped3A_6 : memref<80xi32, #tpu.memory_space<vmem>>) target_semaphore(%arg7 : memref<!tpu.dma_semaphore, #tpu.memory_space<semaphore_mem>>)
      %add3A_32 = arith.constant 160 : i32
      %add3A_33 = arith.addi %mul3A_16, %add3A_32 : i32
      %dma_start3A_34 = tpu.memref_slice %arg2[%add3A_33] : memref<640000xi32, #tpu.memory_space<hbm>> -> memref<80xi32, #tpu.memory_space<hbm>>
      %dma_start3A_35 = tpu.memref_slice %arg2[%add3A_33] : memref<640000xi32, #tpu.memory_space<hbm>> -> memref<80xi32, #tpu.memory_space<hbm>>
      tpu.enqueue_dma source(%dma_start3A_35 : memref<80xi32, #tpu.memory_space<hbm>>) target(%run_scoped3A_1 : memref<80xi32, #tpu.memory_space<vmem>>) target_semaphore(%arg8 : memref<!tpu.dma_semaphore, #tpu.memory_space<semaphore_mem>>)
      %add3A_36 = arith.constant 320000 : i32
      %add3A_37 = arith.addi %add3A_36, %add3A_33 : i32
      %dma_start3A_38 = tpu.memref_slice %arg2[%add3A_37] : memref<640000xi32, #tpu.memory_space<hbm>> -> memref<80xi32, #tpu.memory_space<hbm>>
      %dma_start3A_39 = tpu.memref_slice %arg2[%add3A_37] : memref<640000xi32, #tpu.memory_space<hbm>> -> memref<80xi32, #tpu.memory_space<hbm>>
      tpu.enqueue_dma source(%dma_start3A_39 : memref<80xi32, #tpu.memory_space<hbm>>) target(%run_scoped3A_7 : memref<80xi32, #tpu.memory_space<vmem>>) target_semaphore(%arg8 : memref<!tpu.dma_semaphore, #tpu.memory_space<semaphore_mem>>)
      %broadcast_in_dim3A = arith.constant 0.000000e+00 : f32
      %broadcast_in_dim3A_40 = vector.broadcast %broadcast_in_dim3A : f32 to vector<16xf32>
      %scan3A = arith.constant 0 : i32
      %scan3A_41 = arith.constant 0 : i32
      %scan3A_42 = arith.constant 80 : i32
      %scan3A_43 = arith.addi %scan3A_41, %scan3A_42 : i32
      %scan3A_44 = arith.constant 1 : i32
      scf.for %scan3A_275 = %scan3A_41 to %scan3A_43 step %scan3A_44  : i32 {
        %swap3A = arith.index_cast %scan3A_275 : i32 to index
        %swap3A_276 = arith.constant 0 : index
        %swap3A_277 = tpu.vector_load %run_scoped3A_13[%swap3A, %swap3A_276] {strides = array<i32>} : memref<80x128xf32, #tpu.memory_space<vmem>>, vector<1x16xf32>,
        %swap3A_278 = vector.shape_cast %swap3A_277 : vector<1x16xf32> to vector<16xf32>
        %swap3A_279 = vector.shape_cast %broadcast_in_dim3A_40 : vector<16xf32> to vector<1x16xf32>
        tpu.vector_store %run_scoped3A_13[%swap3A, %swap3A_276], %swap3A_279 {strides = array<i32>} : memref<80x128xf32, #tpu.memory_space<vmem>>, vector<1x16xf32>,
        %swap3A_280 = arith.index_cast %scan3A_275 : i32 to index
        %swap3A_281 = arith.constant 16 : index
        %swap3A_282 = tpu.vector_load %run_scoped3A_13[%swap3A_280, %swap3A_281] {strides = array<i32>} : memref<80x128xf32, #tpu.memory_space<vmem>>, vector<1x16xf32>,
        %swap3A_283 = vector.shape_cast %swap3A_282 : vector<1x16xf32> to vector<16xf32>
        %swap3A_284 = vector.shape_cast %broadcast_in_dim3A_40 : vector<16xf32> to vector<1x16xf32>
        tpu.vector_store %run_scoped3A_13[%swap3A_280, %swap3A_281], %swap3A_284 {strides = array<i32>} : memref<80x128xf32, #tpu.memory_space<vmem>>, vector<1x16xf32>,
        %swap3A_285 = arith.index_cast %scan3A_275 : i32 to index
        %swap3A_286 = arith.constant 32 : index
        %swap3A_287 = tpu.vector_load %run_scoped3A_13[%swap3A_285, %swap3A_286] {strides = array<i32>} : memref<80x128xf32, #tpu.memory_space<vmem>>, vector<1x16xf32>,
        %swap3A_288 = vector.shape_cast %swap3A_287 : vector<1x16xf32> to vector<16xf32>
        %swap3A_289 = vector.shape_cast %broadcast_in_dim3A_40 : vector<16xf32> to vector<1x16xf32>
        tpu.vector_store %run_scoped3A_13[%swap3A_285, %swap3A_286], %swap3A_289 {strides = array<i32>} : memref<80x128xf32, #tpu.memory_space<vmem>>, vector<1x16xf32>,
        %swap3A_290 = arith.index_cast %scan3A_275 : i32 to index
        %swap3A_291 = arith.constant 48 : index
        %swap3A_292 = tpu.vector_load %run_scoped3A_13[%swap3A_290, %swap3A_291] {strides = array<i32>} : memref<80x128xf32, #tpu.memory_space<vmem>>, vector<1x16xf32>,
        %swap3A_293 = vector.shape_cast %swap3A_292 : vector<1x16xf32> to vector<16xf32>
        %swap3A_294 = vector.shape_cast %broadcast_in_dim3A_40 : vector<16xf32> to vector<1x16xf32>
        tpu.vector_store %run_scoped3A_13[%swap3A_290, %swap3A_291], %swap3A_294 {strides = array<i32>} : memref<80x128xf32, #tpu.memory_space<vmem>>, vector<1x16xf32>,
        %swap3A_295 = arith.index_cast %scan3A_275 : i32 to index
        %swap3A_296 = arith.constant 64 : index
        %swap3A_297 = tpu.vector_load %run_scoped3A_13[%swap3A_295, %swap3A_296] {strides = array<i32>} : memref<80x128xf32, #tpu.memory_space<vmem>>, vector<1x16xf32>,
        %swap3A_298 = vector.shape_cast %swap3A_297 : vector<1x16xf32> to vector<16xf32>
        %swap3A_299 = vector.shape_cast %broadcast_in_dim3A_40 : vector<16xf32> to vector<1x16xf32>
        tpu.vector_store %run_scoped3A_13[%swap3A_295, %swap3A_296], %swap3A_299 {strides = array<i32>} : memref<80x128xf32, #tpu.memory_space<vmem>>, vector<1x16xf32>,
        %swap3A_300 = arith.index_cast %scan3A_275 : i32 to index
        %swap3A_301 = arith.constant 80 : index
        %swap3A_302 = tpu.vector_load %run_scoped3A_13[%swap3A_300, %swap3A_301] {strides = array<i32>} : memref<80x128xf32, #tpu.memory_space<vmem>>, vector<1x16xf32>,
        %swap3A_303 = vector.shape_cast %swap3A_302 : vector<1x16xf32> to vector<16xf32>
        %swap3A_304 = vector.shape_cast %broadcast_in_dim3A_40 : vector<16xf32> to vector<1x16xf32>
        tpu.vector_store %run_scoped3A_13[%swap3A_300, %swap3A_301], %swap3A_304 {strides = array<i32>} : memref<80x128xf32, #tpu.memory_space<vmem>>, vector<1x16xf32>,
        %swap3A_305 = arith.index_cast %scan3A_275 : i32 to index
        %swap3A_306 = arith.constant 96 : index
        %swap3A_307 = tpu.vector_load %run_scoped3A_13[%swap3A_305, %swap3A_306] {strides = array<i32>} : memref<80x128xf32, #tpu.memory_space<vmem>>, vector<1x16xf32>,
        %swap3A_308 = vector.shape_cast %swap3A_307 : vector<1x16xf32> to vector<16xf32>
        %swap3A_309 = vector.shape_cast %broadcast_in_dim3A_40 : vector<16xf32> to vector<1x16xf32>
        tpu.vector_store %run_scoped3A_13[%swap3A_305, %swap3A_306], %swap3A_309 {strides = array<i32>} : memref<80x128xf32, #tpu.memory_space<vmem>>, vector<1x16xf32>,
        %swap3A_310 = arith.index_cast %scan3A_275 : i32 to index
        %swap3A_311 = arith.constant 112 : index
        %swap3A_312 = tpu.vector_load %run_scoped3A_13[%swap3A_310, %swap3A_311] {strides = array<i32>} : memref<80x128xf32, #tpu.memory_space<vmem>>, vector<1x16xf32>,
        %swap3A_313 = vector.shape_cast %swap3A_312 : vector<1x16xf32> to vector<16xf32>
        %swap3A_314 = vector.shape_cast %broadcast_in_dim3A_40 : vector<16xf32> to vector<1x16xf32>
        tpu.vector_store %run_scoped3A_13[%swap3A_310, %swap3A_311], %swap3A_314 {strides = array<i32>} : memref<80x128xf32, #tpu.memory_space<vmem>>, vector<1x16xf32>,
      }
      %scan3A_45 = arith.constant 80 : i32
      %mul3A_46 = arith.constant 640 : i32
      %mul3A_47 = arith.muli %arg1, %mul3A_46 : i32
      %dma_wait3A = arith.constant 0 : i32
      %dma_wait3A_48 = tpu.memref_slice %arg2[%dma_wait3A] : memref<640000xi32, #tpu.memory_space<hbm>> -> memref<80xi32, #tpu.memory_space<hbm>>
      %dma_wait3A_49 = arith.constant 0 : i32
      %dma_wait3A_50 = tpu.memref_slice %arg2[%dma_wait3A_49] : memref<640000xi32, #tpu.memory_space<hbm>> -> memref<80xi32, #tpu.memory_space<hbm>>
      tpu.wait_dma2 semaphore(%arg6 : memref<!tpu.dma_semaphore, #tpu.memory_space<semaphore_mem>>) src(%dma_wait3A_50 : memref<80xi32, #tpu.memory_space<hbm>>) dst(%run_scoped3A : memref<80xi32, #tpu.memory_space<vmem>>)
      %dma_wait3A_51 = arith.constant 0 : i32
      %dma_wait3A_52 = tpu.memref_slice %arg2[%dma_wait3A_51] : memref<640000xi32, #tpu.memory_space<hbm>> -> memref<80xi32, #tpu.memory_space<hbm>>
      %dma_wait3A_53 = arith.constant 0 : i32
      %dma_wait3A_54 = tpu.memref_slice %arg2[%dma_wait3A_53] : memref<640000xi32, #tpu.memory_space<hbm>> -> memref<80xi32, #tpu.memory_space<hbm>>
      tpu.wait_dma2 semaphore(%arg6 : memref<!tpu.dma_semaphore, #tpu.memory_space<semaphore_mem>>) src(%dma_wait3A_54 : memref<80xi32, #tpu.memory_space<hbm>>) dst(%run_scoped3A_5 : memref<80xi32, #tpu.memory_space<vmem>>)
      %dma_start3A_55 = arith.constant 0 : i32
      %dma_start3A_56 = arith.constant 0 : i32
      %dma_start3A_57 = tpu.memref_slice %arg3[%dma_start3A_55, %dma_start3A_56] : memref<10000x128xf32, #tpu.memory_space<hbm>> -> memref<10000x128xf32, #tpu.memory_space<hbm>>
      tpu.enqueue_indirect_dma source(%dma_start3A_57 : memref<10000x128xf32, #tpu.memory_space<hbm>>) target(%run_scoped3A_11 : memref<80x128xf32, #tpu.memory_space<vmem>>) offsets(%run_scoped3A : memref<80xi32, #tpu.memory_space<vmem>>) semaphore(%arg12 : memref<!tpu.dma_semaphore, #tpu.memory_space<semaphore_mem>>)
      %dma_wait3A_58 = arith.constant 0 : i32
      %dma_wait3A_59 = tpu.memref_slice %arg2[%dma_wait3A_58] : memref<640000xi32, #tpu.memory_space<hbm>> -> memref<80xi32, #tpu.memory_space<hbm>>
      %dma_wait3A_60 = arith.constant 0 : i32
      %dma_wait3A_61 = tpu.memref_slice %arg2[%dma_wait3A_60] : memref<640000xi32, #tpu.memory_space<hbm>> -> memref<80xi32, #tpu.memory_space<hbm>>
      tpu.wait_dma2 semaphore(%arg7 : memref<!tpu.dma_semaphore, #tpu.memory_space<semaphore_mem>>) src(%dma_wait3A_61 : memref<80xi32, #tpu.memory_space<hbm>>) dst(%run_scoped3A_0 : memref<80xi32, #tpu.memory_space<vmem>>)
      %dma_wait3A_62 = arith.constant 0 : i32
      %dma_wait3A_63 = tpu.memref_slice %arg2[%dma_wait3A_62] : memref<640000xi32, #tpu.memory_space<hbm>> -> memref<80xi32, #tpu.memory_space<hbm>>
      %dma_wait3A_64 = arith.constant 0 : i32
      %dma_wait3A_65 = tpu.memref_slice %arg2[%dma_wait3A_64] : memref<640000xi32, #tpu.memory_space<hbm>> -> memref<80xi32, #tpu.memory_space<hbm>>
      tpu.wait_dma2 semaphore(%arg7 : memref<!tpu.dma_semaphore, #tpu.memory_space<semaphore_mem>>) src(%dma_wait3A_65 : memref<80xi32, #tpu.memory_space<hbm>>) dst(%run_scoped3A_6 : memref<80xi32, #tpu.memory_space<vmem>>)
      %dma_start3A_66 = arith.constant 0 : i32
      %dma_start3A_67 = arith.constant 0 : i32
      %dma_start3A_68 = tpu.memref_slice %arg3[%dma_start3A_66, %dma_start3A_67] : memref<10000x128xf32, #tpu.memory_space<hbm>> -> memref<10000x128xf32, #tpu.memory_space<hbm>>
      tpu.enqueue_indirect_dma source(%dma_start3A_68 : memref<10000x128xf32, #tpu.memory_space<hbm>>) target(%run_scoped3A_12 : memref<80x128xf32, #tpu.memory_space<vmem>>) offsets(%run_scoped3A_0 : memref<80xi32, #tpu.memory_space<vmem>>) semaphore(%arg13 : memref<!tpu.dma_semaphore, #tpu.memory_space<semaphore_mem>>)
      %add3A_69 = arith.constant 0 : i32
      %add3A_70 = arith.addi %mul3A_47, %add3A_69 : i32
      "tpu.region"() ({
        %run_scoped3A_275 = tpu.sem_alloc : memref<!tpu.dma_semaphore, #tpu.memory_space<semaphore_mem>>
        %dma_start3A_276 = arith.constant 0 : i32
        %dma_start3A_277 = tpu.memref_slice %arg5[%add3A_70, %dma_start3A_276] : memref<10240x128xf32, #tpu.memory_space<vmem_shared>> -> memref<80x128xf32, #tpu.memory_space<vmem_shared>>
        %dma_start3A_278 = arith.constant 0 : i32
        %dma_start3A_279 = tpu.memref_slice %arg5[%add3A_70, %dma_start3A_278] : memref<10240x128xf32, #tpu.memory_space<vmem_shared>> -> memref<80x128xf32, #tpu.memory_space<vmem_shared>>
        tpu.enqueue_dma source(%run_scoped3A_13 : memref<80x128xf32, #tpu.memory_space<vmem>>) target(%dma_start3A_279 : memref<80x128xf32, #tpu.memory_space<vmem_shared>>) target_semaphore(%run_scoped3A_275 : memref<!tpu.dma_semaphore, #tpu.memory_space<semaphore_mem>>)
        %dma_wait3A_280 = arith.constant 0 : i32
        %dma_wait3A_281 = tpu.memref_slice %arg5[%add3A_70, %dma_wait3A_280] : memref<10240x128xf32, #tpu.memory_space<vmem_shared>> -> memref<80x128xf32, #tpu.memory_space<vmem_shared>>
        %dma_wait3A_282 = arith.constant 0 : i32
        %dma_wait3A_283 = tpu.memref_slice %arg5[%add3A_70, %dma_wait3A_282] : memref<10240x128xf32, #tpu.memory_space<vmem_shared>> -> memref<80x128xf32, #tpu.memory_space<vmem_shared>>
        tpu.wait_dma2 semaphore(%run_scoped3A_275 : memref<!tpu.dma_semaphore, #tpu.memory_space<semaphore_mem>>) src(%run_scoped3A_13 : memref<80x128xf32, #tpu.memory_space<vmem>>) dst(%dma_wait3A_283 : memref<80x128xf32, #tpu.memory_space<vmem_shared>>)
        tpu.yield
      }) : () -> ()
      %add3A_71 = arith.constant 80 : i32
      %add3A_72 = arith.addi %mul3A_47, %add3A_71 : i32
      "tpu.region"() ({
        %run_scoped3A_275 = tpu.sem_alloc : memref<!tpu.dma_semaphore, #tpu.memory_space<semaphore_mem>>
        %dma_start3A_276 = arith.constant 0 : i32
        %dma_start3A_277 = tpu.memref_slice %arg5[%add3A_72, %dma_start3A_276] : memref<10240x128xf32, #tpu.memory_space<vmem_shared>> -> memref<80x128xf32, #tpu.memory_space<vmem_shared>>
        %dma_start3A_278 = arith.constant 0 : i32
        %dma_start3A_279 = tpu.memref_slice %arg5[%add3A_72, %dma_start3A_278] : memref<10240x128xf32, #tpu.memory_space<vmem_shared>> -> memref<80x128xf32, #tpu.memory_space<vmem_shared>>
        tpu.enqueue_dma source(%run_scoped3A_13 : memref<80x128xf32, #tpu.memory_space<vmem>>) target(%dma_start3A_279 : memref<80x128xf32, #tpu.memory_space<vmem_shared>>) target_semaphore(%run_scoped3A_275 : memref<!tpu.dma_semaphore, #tpu.memory_space<semaphore_mem>>)
        %dma_wait3A_280 = arith.constant 0 : i32
        %dma_wait3A_281 = tpu.memref_slice %arg5[%add3A_72, %dma_wait3A_280] : memref<10240x128xf32, #tpu.memory_space<vmem_shared>> -> memref<80x128xf32, #tpu.memory_space<vmem_shared>>
        %dma_wait3A_282 = arith.constant 0 : i32
        %dma_wait3A_283 = tpu.memref_slice %arg5[%add3A_72, %dma_wait3A_282] : memref<10240x128xf32, #tpu.memory_space<vmem_shared>> -> memref<80x128xf32, #tpu.memory_space<vmem_shared>>
        tpu.wait_dma2 semaphore(%run_scoped3A_275 : memref<!tpu.dma_semaphore, #tpu.memory_space<semaphore_mem>>) src(%run_scoped3A_13 : memref<80x128xf32, #tpu.memory_space<vmem>>) dst(%dma_wait3A_283 : memref<80x128xf32, #tpu.memory_space<vmem_shared>>)
        tpu.yield
      }) : () -> ()
      %add3A_73 = arith.constant 160 : i32
      %add3A_74 = arith.addi %mul3A_47, %add3A_73 : i32
      "tpu.region"() ({
        %run_scoped3A_275 = tpu.sem_alloc : memref<!tpu.dma_semaphore, #tpu.memory_space<semaphore_mem>>
        %dma_start3A_276 = arith.constant 0 : i32
        %dma_start3A_277 = tpu.memref_slice %arg5[%add3A_74, %dma_start3A_276] : memref<10240x128xf32, #tpu.memory_space<vmem_shared>> -> memref<80x128xf32, #tpu.memory_space<vmem_shared>>
        %dma_start3A_278 = arith.constant 0 : i32
        %dma_start3A_279 = tpu.memref_slice %arg5[%add3A_74, %dma_start3A_278] : memref<10240x128xf32, #tpu.memory_space<vmem_shared>> -> memref<80x128xf32, #tpu.memory_space<vmem_shared>>
        tpu.enqueue_dma source(%run_scoped3A_13 : memref<80x128xf32, #tpu.memory_space<vmem>>) target(%dma_start3A_279 : memref<80x128xf32, #tpu.memory_space<vmem_shared>>) target_semaphore(%run_scoped3A_275 : memref<!tpu.dma_semaphore, #tpu.memory_space<semaphore_mem>>)
        %dma_wait3A_280 = arith.constant 0 : i32
        %dma_wait3A_281 = tpu.memref_slice %arg5[%add3A_74, %dma_wait3A_280] : memref<10240x128xf32, #tpu.memory_space<vmem_shared>> -> memref<80x128xf32, #tpu.memory_space<vmem_shared>>
        %dma_wait3A_282 = arith.constant 0 : i32
        %dma_wait3A_283 = tpu.memref_slice %arg5[%add3A_74, %dma_wait3A_282] : memref<10240x128xf32, #tpu.memory_space<vmem_shared>> -> memref<80x128xf32, #tpu.memory_space<vmem_shared>>
        tpu.wait_dma2 semaphore(%run_scoped3A_275 : memref<!tpu.dma_semaphore, #tpu.memory_space<semaphore_mem>>) src(%run_scoped3A_13 : memref<80x128xf32, #tpu.memory_space<vmem>>) dst(%dma_wait3A_283 : memref<80x128xf32, #tpu.memory_space<vmem_shared>>)
        tpu.yield
      }) : () -> ()
      %add3A_75 = arith.constant 240 : i32
      %add3A_76 = arith.addi %mul3A_47, %add3A_75 : i32
      "tpu.region"() ({
        %run_scoped3A_275 = tpu.sem_alloc : memref<!tpu.dma_semaphore, #tpu.memory_space<semaphore_mem>>
        %dma_start3A_276 = arith.constant 0 : i32
        %dma_start3A_277 = tpu.memref_slice %arg5[%add3A_76, %dma_start3A_276] : memref<10240x128xf32, #tpu.memory_space<vmem_shared>> -> memref<80x128xf32, #tpu.memory_space<vmem_shared>>
        %dma_start3A_278 = arith.constant 0 : i32
        %dma_start3A_279 = tpu.memref_slice %arg5[%add3A_76, %dma_start3A_278] : memref<10240x128xf32, #tpu.memory_space<vmem_shared>> -> memref<80x128xf32, #tpu.memory_space<vmem_shared>>
        tpu.enqueue_dma source(%run_scoped3A_13 : memref<80x128xf32, #tpu.memory_space<vmem>>) target(%dma_start3A_279 : memref<80x128xf32, #tpu.memory_space<vmem_shared>>) target_semaphore(%run_scoped3A_275 : memref<!tpu.dma_semaphore, #tpu.memory_space<semaphore_mem>>)
        %dma_wait3A_280 = arith.constant 0 : i32
        %dma_wait3A_281 = tpu.memref_slice %arg5[%add3A_76, %dma_wait3A_280] : memref<10240x128xf32, #tpu.memory_space<vmem_shared>> -> memref<80x128xf32, #tpu.memory_space<vmem_shared>>
        %dma_wait3A_282 = arith.constant 0 : i32
        %dma_wait3A_283 = tpu.memref_slice %arg5[%add3A_76, %dma_wait3A_282] : memref<10240x128xf32, #tpu.memory_space<vmem_shared>> -> memref<80x128xf32, #tpu.memory_space<vmem_shared>>
        tpu.wait_dma2 semaphore(%run_scoped3A_275 : memref<!tpu.dma_semaphore, #tpu.memory_space<semaphore_mem>>) src(%run_scoped3A_13 : memref<80x128xf32, #tpu.memory_space<vmem>>) dst(%dma_wait3A_283 : memref<80x128xf32, #tpu.memory_space<vmem_shared>>)
        tpu.yield
      }) : () -> ()
      %add3A_77 = arith.constant 320 : i32
      %add3A_78 = arith.addi %mul3A_47, %add3A_77 : i32
      "tpu.region"() ({
        %run_scoped3A_275 = tpu.sem_alloc : memref<!tpu.dma_semaphore, #tpu.memory_space<semaphore_mem>>
        %dma_start3A_276 = arith.constant 0 : i32
        %dma_start3A_277 = tpu.memref_slice %arg5[%add3A_78, %dma_start3A_276] : memref<10240x128xf32, #tpu.memory_space<vmem_shared>> -> memref<80x128xf32, #tpu.memory_space<vmem_shared>>
        %dma_start3A_278 = arith.constant 0 : i32
        %dma_start3A_279 = tpu.memref_slice %arg5[%add3A_78, %dma_start3A_278] : memref<10240x128xf32, #tpu.memory_space<vmem_shared>> -> memref<80x128xf32, #tpu.memory_space<vmem_shared>>
        tpu.enqueue_dma source(%run_scoped3A_13 : memref<80x128xf32, #tpu.memory_space<vmem>>) target(%dma_start3A_279 : memref<80x128xf32, #tpu.memory_space<vmem_shared>>) target_semaphore(%run_scoped3A_275 : memref<!tpu.dma_semaphore, #tpu.memory_space<semaphore_mem>>)
        %dma_wait3A_280 = arith.constant 0 : i32
        %dma_wait3A_281 = tpu.memref_slice %arg5[%add3A_78, %dma_wait3A_280] : memref<10240x128xf32, #tpu.memory_space<vmem_shared>> -> memref<80x128xf32, #tpu.memory_space<vmem_shared>>
        %dma_wait3A_282 = arith.constant 0 : i32
        %dma_wait3A_283 = tpu.memref_slice %arg5[%add3A_78, %dma_wait3A_282] : memref<10240x128xf32, #tpu.memory_space<vmem_shared>> -> memref<80x128xf32, #tpu.memory_space<vmem_shared>>
        tpu.wait_dma2 semaphore(%run_scoped3A_275 : memref<!tpu.dma_semaphore, #tpu.memory_space<semaphore_mem>>) src(%run_scoped3A_13 : memref<80x128xf32, #tpu.memory_space<vmem>>) dst(%dma_wait3A_283 : memref<80x128xf32, #tpu.memory_space<vmem_shared>>)
        tpu.yield
      }) : () -> ()
      %add3A_79 = arith.constant 400 : i32
      %add3A_80 = arith.addi %mul3A_47, %add3A_79 : i32
      "tpu.region"() ({
        %run_scoped3A_275 = tpu.sem_alloc : memref<!tpu.dma_semaphore, #tpu.memory_space<semaphore_mem>>
        %dma_start3A_276 = arith.constant 0 : i32
        %dma_start3A_277 = tpu.memref_slice %arg5[%add3A_80, %dma_start3A_276] : memref<10240x128xf32, #tpu.memory_space<vmem_shared>> -> memref<80x128xf32, #tpu.memory_space<vmem_shared>>
        %dma_start3A_278 = arith.constant 0 : i32
        %dma_start3A_279 = tpu.memref_slice %arg5[%add3A_80, %dma_start3A_278] : memref<10240x128xf32, #tpu.memory_space<vmem_shared>> -> memref<80x128xf32, #tpu.memory_space<vmem_shared>>
        tpu.enqueue_dma source(%run_scoped3A_13 : memref<80x128xf32, #tpu.memory_space<vmem>>) target(%dma_start3A_279 : memref<80x128xf32, #tpu.memory_space<vmem_shared>>) target_semaphore(%run_scoped3A_275 : memref<!tpu.dma_semaphore, #tpu.memory_space<semaphore_mem>>)
        %dma_wait3A_280 = arith.constant 0 : i32
        %dma_wait3A_281 = tpu.memref_slice %arg5[%add3A_80, %dma_wait3A_280] : memref<10240x128xf32, #tpu.memory_space<vmem_shared>> -> memref<80x128xf32, #tpu.memory_space<vmem_shared>>
        %dma_wait3A_282 = arith.constant 0 : i32
        %dma_wait3A_283 = tpu.memref_slice %arg5[%add3A_80, %dma_wait3A_282] : memref<10240x128xf32, #tpu.memory_space<vmem_shared>> -> memref<80x128xf32, #tpu.memory_space<vmem_shared>>
        tpu.wait_dma2 semaphore(%run_scoped3A_275 : memref<!tpu.dma_semaphore, #tpu.memory_space<semaphore_mem>>) src(%run_scoped3A_13 : memref<80x128xf32, #tpu.memory_space<vmem>>) dst(%dma_wait3A_283 : memref<80x128xf32, #tpu.memory_space<vmem_shared>>)
        tpu.yield
      }) : () -> ()
      %add3A_81 = arith.constant 480 : i32
      %add3A_82 = arith.addi %mul3A_47, %add3A_81 : i32
      "tpu.region"() ({
        %run_scoped3A_275 = tpu.sem_alloc : memref<!tpu.dma_semaphore, #tpu.memory_space<semaphore_mem>>
        %dma_start3A_276 = arith.constant 0 : i32
        %dma_start3A_277 = tpu.memref_slice %arg5[%add3A_82, %dma_start3A_276] : memref<10240x128xf32, #tpu.memory_space<vmem_shared>> -> memref<80x128xf32, #tpu.memory_space<vmem_shared>>
        %dma_start3A_278 = arith.constant 0 : i32
        %dma_start3A_279 = tpu.memref_slice %arg5[%add3A_82, %dma_start3A_278] : memref<10240x128xf32, #tpu.memory_space<vmem_shared>> -> memref<80x128xf32, #tpu.memory_space<vmem_shared>>
        tpu.enqueue_dma source(%run_scoped3A_13 : memref<80x128xf32, #tpu.memory_space<vmem>>) target(%dma_start3A_279 : memref<80x128xf32, #tpu.memory_space<vmem_shared>>) target_semaphore(%run_scoped3A_275 : memref<!tpu.dma_semaphore, #tpu.memory_space<semaphore_mem>>)
        %dma_wait3A_280 = arith.constant 0 : i32
        %dma_wait3A_281 = tpu.memref_slice %arg5[%add3A_82, %dma_wait3A_280] : memref<10240x128xf32, #tpu.memory_space<vmem_shared>> -> memref<80x128xf32, #tpu.memory_space<vmem_shared>>
        %dma_wait3A_282 = arith.constant 0 : i32
        %dma_wait3A_283 = tpu.memref_slice %arg5[%add3A_82, %dma_wait3A_282] : memref<10240x128xf32, #tpu.memory_space<vmem_shared>> -> memref<80x128xf32, #tpu.memory_space<vmem_shared>>
        tpu.wait_dma2 semaphore(%run_scoped3A_275 : memref<!tpu.dma_semaphore, #tpu.memory_space<semaphore_mem>>) src(%run_scoped3A_13 : memref<80x128xf32, #tpu.memory_space<vmem>>) dst(%dma_wait3A_283 : memref<80x128xf32, #tpu.memory_space<vmem_shared>>)
        tpu.yield
      }) : () -> ()
      %add3A_83 = arith.constant 560 : i32
      %add3A_84 = arith.addi %mul3A_47, %add3A_83 : i32
      "tpu.region"() ({
        %run_scoped3A_275 = tpu.sem_alloc : memref<!tpu.dma_semaphore, #tpu.memory_space<semaphore_mem>>
        %dma_start3A_276 = arith.constant 0 : i32
        %dma_start3A_277 = tpu.memref_slice %arg5[%add3A_84, %dma_start3A_276] : memref<10240x128xf32, #tpu.memory_space<vmem_shared>> -> memref<80x128xf32, #tpu.memory_space<vmem_shared>>
        %dma_start3A_278 = arith.constant 0 : i32
        %dma_start3A_279 = tpu.memref_slice %arg5[%add3A_84, %dma_start3A_278] : memref<10240x128xf32, #tpu.memory_space<vmem_shared>> -> memref<80x128xf32, #tpu.memory_space<vmem_shared>>
        tpu.enqueue_dma source(%run_scoped3A_13 : memref<80x128xf32, #tpu.memory_space<vmem>>) target(%dma_start3A_279 : memref<80x128xf32, #tpu.memory_space<vmem_shared>>) target_semaphore(%run_scoped3A_275 : memref<!tpu.dma_semaphore, #tpu.memory_space<semaphore_mem>>)
        %dma_wait3A_280 = arith.constant 0 : i32
        %dma_wait3A_281 = tpu.memref_slice %arg5[%add3A_84, %dma_wait3A_280] : memref<10240x128xf32, #tpu.memory_space<vmem_shared>> -> memref<80x128xf32, #tpu.memory_space<vmem_shared>>
        %dma_wait3A_282 = arith.constant 0 : i32
        %dma_wait3A_283 = tpu.memref_slice %arg5[%add3A_84, %dma_wait3A_282] : memref<10240x128xf32, #tpu.memory_space<vmem_shared>> -> memref<80x128xf32, #tpu.memory_space<vmem_shared>>
        tpu.wait_dma2 semaphore(%run_scoped3A_275 : memref<!tpu.dma_semaphore, #tpu.memory_space<semaphore_mem>>) src(%run_scoped3A_13 : memref<80x128xf32, #tpu.memory_space<vmem>>) dst(%dma_wait3A_283 : memref<80x128xf32, #tpu.memory_space<vmem_shared>>)
        tpu.yield
      }) : () -> ()
      %barrier3A = arith.constant 0 : index
      tpu.barrier barrier_id(%barrier3A)
      %add3A_85 = arith.constant 0 : i32
      %add3A_86 = arith.constant 3 : i32
      %add3A_87 = arith.addi %add3A_85, %add3A_86 : i32
      %min3A = arith.constant 124 : i32
      %min3A_88 = arith.minsi %add3A_87, %min3A : i32
      %mul3A_89 = arith.constant 80 : i32
      %mul3A_90 = arith.muli %min3A_88, %mul3A_89 : i32
      %add3A_91 = arith.addi %mul3A_16, %mul3A_90 : i32
      %dma_start3A_92 = tpu.memref_slice %arg2[%add3A_91] : memref<640000xi32, #tpu.memory_space<hbm>> -> memref<80xi32, #tpu.memory_space<hbm>>
      %dma_start3A_93 = tpu.memref_slice %arg2[%add3A_91] : memref<640000xi32, #tpu.memory_space<hbm>> -> memref<80xi32, #tpu.memory_space<hbm>>
      tpu.enqueue_dma source(%dma_start3A_93 : memref<80xi32, #tpu.memory_space<hbm>>) target(%run_scoped3A_2 : memref<80xi32, #tpu.memory_space<vmem>>) target_semaphore(%arg9 : memref<!tpu.dma_semaphore, #tpu.memory_space<semaphore_mem>>)
      %add3A_94 = arith.constant 320000 : i32
      %add3A_95 = arith.addi %add3A_94, %add3A_91 : i32
      %dma_start3A_96 = tpu.memref_slice %arg2[%add3A_95] : memref<640000xi32, #tpu.memory_space<hbm>> -> memref<80xi32, #tpu.memory_space<hbm>>
      %dma_start3A_97 = tpu.memref_slice %arg2[%add3A_95] : memref<640000xi32, #tpu.memory_space<hbm>> -> memref<80xi32, #tpu.memory_space<hbm>>
      tpu.enqueue_dma source(%dma_start3A_97 : memref<80xi32, #tpu.memory_space<hbm>>) target(%run_scoped3A_8 : memref<80xi32, #tpu.memory_space<vmem>>) target_semaphore(%arg9 : memref<!tpu.dma_semaphore, #tpu.memory_space<semaphore_mem>>)
      %dma_wait3A_98 = arith.constant 0 : i32
      %dma_wait3A_99 = arith.constant 0 : i32
      %dma_wait3A_100 = tpu.memref_slice %arg3[%dma_wait3A_98, %dma_wait3A_99] : memref<10000x128xf32, #tpu.memory_space<hbm>> -> memref<10000x128xf32, #tpu.memory_space<hbm>>
      tpu.wait_indirect_dma semaphore(%arg12 : memref<!tpu.dma_semaphore, #tpu.memory_space<semaphore_mem>>) src(%dma_wait3A_100 : memref<10000x128xf32, #tpu.memory_space<hbm>>) dst(%run_scoped3A_11 : memref<80x128xf32, #tpu.memory_space<vmem>>)
      %dma_start3A_101 = arith.constant 0 : i32
      %dma_start3A_102 = arith.constant 0 : i32
      %dma_start3A_103 = tpu.memref_slice %arg5[%dma_start3A_101, %dma_start3A_102] : memref<10240x128xf32, #tpu.memory_space<vmem_shared>> -> memref<10240x128xf32, #tpu.memory_space<vmem_shared>>
      tpu.enqueue_indirect_dma source(%run_scoped3A_11 : memref<80x128xf32, #tpu.memory_space<vmem>>) target(%dma_start3A_103 : memref<10240x128xf32, #tpu.memory_space<vmem_shared>>) offsets(%run_scoped3A_5 : memref<80xi32, #tpu.memory_space<vmem>>) semaphore(%arg15 : memref<!tpu.dma_semaphore, #tpu.memory_space<semaphore_mem>>) {add = true}
      %dma_wait3A_104 = arith.constant 0 : i32
      %dma_wait3A_105 = tpu.memref_slice %arg2[%dma_wait3A_104] : memref<640000xi32, #tpu.memory_space<hbm>> -> memref<80xi32, #tpu.memory_space<hbm>>
      %dma_wait3A_106 = arith.constant 0 : i32
      %dma_wait3A_107 = tpu.memref_slice %arg2[%dma_wait3A_106] : memref<640000xi32, #tpu.memory_space<hbm>> -> memref<80xi32, #tpu.memory_space<hbm>>
      tpu.wait_dma2 semaphore(%arg8 : memref<!tpu.dma_semaphore, #tpu.memory_space<semaphore_mem>>) src(%dma_wait3A_107 : memref<80xi32, #tpu.memory_space<hbm>>) dst(%run_scoped3A_1 : memref<80xi32, #tpu.memory_space<vmem>>)
      %dma_wait3A_108 = arith.constant 0 : i32
      %dma_wait3A_109 = tpu.memref_slice %arg2[%dma_wait3A_108] : memref<640000xi32, #tpu.memory_space<hbm>> -> memref<80xi32, #tpu.memory_space<hbm>>
      %dma_wait3A_110 = arith.constant 0 : i32
      %dma_wait3A_111 = tpu.memref_slice %arg2[%dma_wait3A_110] : memref<640000xi32, #tpu.memory_space<hbm>> -> memref<80xi32, #tpu.memory_space<hbm>>
      tpu.wait_dma2 semaphore(%arg8 : memref<!tpu.dma_semaphore, #tpu.memory_space<semaphore_mem>>) src(%dma_wait3A_111 : memref<80xi32, #tpu.memory_space<hbm>>) dst(%run_scoped3A_7 : memref<80xi32, #tpu.memory_space<vmem>>)
      %dma_start3A_112 = arith.constant 0 : i32
      %dma_start3A_113 = arith.constant 0 : i32
      %dma_start3A_114 = tpu.memref_slice %arg3[%dma_start3A_112, %dma_start3A_113] : memref<10000x128xf32, #tpu.memory_space<hbm>> -> memref<10000x128xf32, #tpu.memory_space<hbm>>
      tpu.enqueue_indirect_dma source(%dma_start3A_114 : memref<10000x128xf32, #tpu.memory_space<hbm>>) target(%run_scoped3A_13 : memref<80x128xf32, #tpu.memory_space<vmem>>) offsets(%run_scoped3A_1 : memref<80xi32, #tpu.memory_space<vmem>>) semaphore(%arg14 : memref<!tpu.dma_semaphore, #tpu.memory_space<semaphore_mem>>)
      %add3A_115 = arith.constant 1 : i32
      %add3A_116 = arith.constant 3 : i32
      %add3A_117 = arith.addi %add3A_115, %add3A_116 : i32
      %min3A_118 = arith.constant 124 : i32
      %min3A_119 = arith.minsi %add3A_117, %min3A_118 : i32
      %mul3A_120 = arith.constant 80 : i32
      %mul3A_121 = arith.muli %min3A_119, %mul3A_120 : i32
      %add3A_122 = arith.addi %mul3A_16, %mul3A_121 : i32
      %dma_start3A_123 = tpu.memref_slice %arg2[%add3A_122] : memref<640000xi32, #tpu.memory_space<hbm>> -> memref<80xi32, #tpu.memory_space<hbm>>
      %dma_start3A_124 = tpu.memref_slice %arg2[%add3A_122] : memref<640000xi32, #tpu.memory_space<hbm>> -> memref<80xi32, #tpu.memory_space<hbm>>
      tpu.enqueue_dma source(%dma_start3A_124 : memref<80xi32, #tpu.memory_space<hbm>>) target(%run_scoped3A_3 : memref<80xi32, #tpu.memory_space<vmem>>) target_semaphore(%arg10 : memref<!tpu.dma_semaphore, #tpu.memory_space<semaphore_mem>>)
      %add3A_125 = arith.constant 320000 : i32
      %add3A_126 = arith.addi %add3A_125, %add3A_122 : i32
      %dma_start3A_127 = tpu.memref_slice %arg2[%add3A_126] : memref<640000xi32, #tpu.memory_space<hbm>> -> memref<80xi32, #tpu.memory_space<hbm>>
      %dma_start3A_128 = tpu.memref_slice %arg2[%add3A_126] : memref<640000xi32, #tpu.memory_space<hbm>> -> memref<80xi32, #tpu.memory_space<hbm>>
      tpu.enqueue_dma source(%dma_start3A_128 : memref<80xi32, #tpu.memory_space<hbm>>) target(%run_scoped3A_9 : memref<80xi32, #tpu.memory_space<vmem>>) target_semaphore(%arg10 : memref<!tpu.dma_semaphore, #tpu.memory_space<semaphore_mem>>)
      %dma_wait3A_129 = arith.constant 0 : i32
      %dma_wait3A_130 = arith.constant 0 : i32
      %dma_wait3A_131 = tpu.memref_slice %arg3[%dma_wait3A_129, %dma_wait3A_130] : memref<10000x128xf32, #tpu.memory_space<hbm>> -> memref<10000x128xf32, #tpu.memory_space<hbm>>
      tpu.wait_indirect_dma semaphore(%arg13 : memref<!tpu.dma_semaphore, #tpu.memory_space<semaphore_mem>>) src(%dma_wait3A_131 : memref<10000x128xf32, #tpu.memory_space<hbm>>) dst(%run_scoped3A_12 : memref<80x128xf32, #tpu.memory_space<vmem>>)
      %dma_wait3A_132 = arith.constant 0 : i32
      %dma_wait3A_133 = arith.constant 0 : i32
      %dma_wait3A_134 = tpu.memref_slice %arg5[%dma_wait3A_132, %dma_wait3A_133] : memref<10240x128xf32, #tpu.memory_space<vmem_shared>> -> memref<10240x128xf32, #tpu.memory_space<vmem_shared>>
      tpu.wait_indirect_dma semaphore(%arg15 : memref<!tpu.dma_semaphore, #tpu.memory_space<semaphore_mem>>) src(%run_scoped3A_11 : memref<80x128xf32, #tpu.memory_space<vmem>>) dst(%dma_wait3A_134 : memref<10240x128xf32, #tpu.memory_space<vmem_shared>>)
      %dma_start3A_135 = arith.constant 0 : i32
      %dma_start3A_136 = arith.constant 0 : i32
      %dma_start3A_137 = tpu.memref_slice %arg5[%dma_start3A_135, %dma_start3A_136] : memref<10240x128xf32, #tpu.memory_space<vmem_shared>> -> memref<10240x128xf32, #tpu.memory_space<vmem_shared>>
      tpu.enqueue_indirect_dma source(%run_scoped3A_12 : memref<80x128xf32, #tpu.memory_space<vmem>>) target(%dma_start3A_137 : memref<10240x128xf32, #tpu.memory_space<vmem_shared>>) offsets(%run_scoped3A_6 : memref<80xi32, #tpu.memory_space<vmem>>) semaphore(%arg16 : memref<!tpu.dma_semaphore, #tpu.memory_space<semaphore_mem>>) {add = true}
      %dma_wait3A_138 = arith.constant 0 : i32
      %dma_wait3A_139 = tpu.memref_slice %arg2[%dma_wait3A_138] : memref<640000xi32, #tpu.memory_space<hbm>> -> memref<80xi32, #tpu.memory_space<hbm>>
      %dma_wait3A_140 = arith.constant 0 : i32
      %dma_wait3A_141 = tpu.memref_slice %arg2[%dma_wait3A_140] : memref<640000xi32, #tpu.memory_space<hbm>> -> memref<80xi32, #tpu.memory_space<hbm>>
      tpu.wait_dma2 semaphore(%arg9 : memref<!tpu.dma_semaphore, #tpu.memory_space<semaphore_mem>>) src(%dma_wait3A_141 : memref<80xi32, #tpu.memory_space<hbm>>) dst(%run_scoped3A_2 : memref<80xi32, #tpu.memory_space<vmem>>)
      %dma_wait3A_142 = arith.constant 0 : i32
      %dma_wait3A_143 = tpu.memref_slice %arg2[%dma_wait3A_142] : memref<640000xi32, #tpu.memory_space<hbm>> -> memref<80xi32, #tpu.memory_space<hbm>>
      %dma_wait3A_144 = arith.constant 0 : i32
      %dma_wait3A_145 = tpu.memref_slice %arg2[%dma_wait3A_144] : memref<640000xi32, #tpu.memory_space<hbm>> -> memref<80xi32, #tpu.memory_space<hbm>>
      tpu.wait_dma2 semaphore(%arg9 : memref<!tpu.dma_semaphore, #tpu.memory_space<semaphore_mem>>) src(%dma_wait3A_145 : memref<80xi32, #tpu.memory_space<hbm>>) dst(%run_scoped3A_8 : memref<80xi32, #tpu.memory_space<vmem>>)
      %dma_start3A_146 = arith.constant 0 : i32
      %dma_start3A_147 = arith.constant 0 : i32
      %dma_start3A_148 = tpu.memref_slice %arg3[%dma_start3A_146, %dma_start3A_147] : memref<10000x128xf32, #tpu.memory_space<hbm>> -> memref<10000x128xf32, #tpu.memory_space<hbm>>
      tpu.enqueue_indirect_dma source(%dma_start3A_148 : memref<10000x128xf32, #tpu.memory_space<hbm>>) target(%run_scoped3A_11 : memref<80x128xf32, #tpu.memory_space<vmem>>) offsets(%run_scoped3A_2 : memref<80xi32, #tpu.memory_space<vmem>>) semaphore(%arg12 : memref<!tpu.dma_semaphore, #tpu.memory_space<semaphore_mem>>)
      %add3A_149 = arith.constant 2 : i32
      %add3A_150 = arith.constant 3 : i32
      %add3A_151 = arith.addi %add3A_149, %add3A_150 : i32
      %min3A_152 = arith.constant 124 : i32
      %min3A_153 = arith.minsi %add3A_151, %min3A_152 : i32
      %mul3A_154 = arith.constant 80 : i32
      %mul3A_155 = arith.muli %min3A_153, %mul3A_154 : i32
      %add3A_156 = arith.addi %mul3A_16, %mul3A_155 : i32
      %dma_start3A_157 = tpu.memref_slice %arg2[%add3A_156] : memref<640000xi32, #tpu.memory_space<hbm>> -> memref<80xi32, #tpu.memory_space<hbm>>
      %dma_start3A_158 = tpu.memref_slice %arg2[%add3A_156] : memref<640000xi32, #tpu.memory_space<hbm>> -> memref<80xi32, #tpu.memory_space<hbm>>
      tpu.enqueue_dma source(%dma_start3A_158 : memref<80xi32, #tpu.memory_space<hbm>>) target(%run_scoped3A_4 : memref<80xi32, #tpu.memory_space<vmem>>) target_semaphore(%arg11 : memref<!tpu.dma_semaphore, #tpu.memory_space<semaphore_mem>>)
      %add3A_159 = arith.constant 320000 : i32
      %add3A_160 = arith.addi %add3A_159, %add3A_156 : i32
      %dma_start3A_161 = tpu.memref_slice %arg2[%add3A_160] : memref<640000xi32, #tpu.memory_space<hbm>> -> memref<80xi32, #tpu.memory_space<hbm>>
      %dma_start3A_162 = tpu.memref_slice %arg2[%add3A_160] : memref<640000xi32, #tpu.memory_space<hbm>> -> memref<80xi32, #tpu.memory_space<hbm>>
      tpu.enqueue_dma source(%dma_start3A_162 : memref<80xi32, #tpu.memory_space<hbm>>) target(%run_scoped3A_10 : memref<80xi32, #tpu.memory_space<vmem>>) target_semaphore(%arg11 : memref<!tpu.dma_semaphore, #tpu.memory_space<semaphore_mem>>)
      %dma_wait3A_163 = arith.constant 0 : i32
      %dma_wait3A_164 = arith.constant 0 : i32
      %dma_wait3A_165 = tpu.memref_slice %arg3[%dma_wait3A_163, %dma_wait3A_164] : memref<10000x128xf32, #tpu.memory_space<hbm>> -> memref<10000x128xf32, #tpu.memory_space<hbm>>
      tpu.wait_indirect_dma semaphore(%arg14 : memref<!tpu.dma_semaphore, #tpu.memory_space<semaphore_mem>>) src(%dma_wait3A_165 : memref<10000x128xf32, #tpu.memory_space<hbm>>) dst(%run_scoped3A_13 : memref<80x128xf32, #tpu.memory_space<vmem>>)
      %dma_wait3A_166 = arith.constant 0 : i32
      %dma_wait3A_167 = arith.constant 0 : i32
      %dma_wait3A_168 = tpu.memref_slice %arg5[%dma_wait3A_166, %dma_wait3A_167] : memref<10240x128xf32, #tpu.memory_space<vmem_shared>> -> memref<10240x128xf32, #tpu.memory_space<vmem_shared>>
      tpu.wait_indirect_dma semaphore(%arg16 : memref<!tpu.dma_semaphore, #tpu.memory_space<semaphore_mem>>) src(%run_scoped3A_12 : memref<80x128xf32, #tpu.memory_space<vmem>>) dst(%dma_wait3A_168 : memref<10240x128xf32, #tpu.memory_space<vmem_shared>>)
      %dma_start3A_169 = arith.constant 0 : i32
      %dma_start3A_170 = arith.constant 0 : i32
      %dma_start3A_171 = tpu.memref_slice %arg5[%dma_start3A_169, %dma_start3A_170] : memref<10240x128xf32, #tpu.memory_space<vmem_shared>> -> memref<10240x128xf32, #tpu.memory_space<vmem_shared>>
      tpu.enqueue_indirect_dma source(%run_scoped3A_13 : memref<80x128xf32, #tpu.memory_space<vmem>>) target(%dma_start3A_171 : memref<10240x128xf32, #tpu.memory_space<vmem_shared>>) offsets(%run_scoped3A_7 : memref<80xi32, #tpu.memory_space<vmem>>) semaphore(%arg17 : memref<!tpu.dma_semaphore, #tpu.memory_space<semaphore_mem>>) {add = true}
      %dma_wait3A_172 = arith.constant 0 : i32
      %dma_wait3A_173 = tpu.memref_slice %arg2[%dma_wait3A_172] : memref<640000xi32, #tpu.memory_space<hbm>> -> memref<80xi32, #tpu.memory_space<hbm>>
      %dma_wait3A_174 = arith.constant 0 : i32
      %dma_wait3A_175 = tpu.memref_slice %arg2[%dma_wait3A_174] : memref<640000xi32, #tpu.memory_space<hbm>> -> memref<80xi32, #tpu.memory_space<hbm>>
      tpu.wait_dma2 semaphore(%arg10 : memref<!tpu.dma_semaphore, #tpu.memory_space<semaphore_mem>>) src(%dma_wait3A_175 : memref<80xi32, #tpu.memory_space<hbm>>) dst(%run_scoped3A_3 : memref<80xi32, #tpu.memory_space<vmem>>)
      %dma_wait3A_176 = arith.constant 0 : i32
      %dma_wait3A_177 = tpu.memref_slice %arg2[%dma_wait3A_176] : memref<640000xi32, #tpu.memory_space<hbm>> -> memref<80xi32, #tpu.memory_space<hbm>>
      %dma_wait3A_178 = arith.constant 0 : i32
      %dma_wait3A_179 = tpu.memref_slice %arg2[%dma_wait3A_178] : memref<640000xi32, #tpu.memory_space<hbm>> -> memref<80xi32, #tpu.memory_space<hbm>>
      tpu.wait_dma2 semaphore(%arg10 : memref<!tpu.dma_semaphore, #tpu.memory_space<semaphore_mem>>) src(%dma_wait3A_179 : memref<80xi32, #tpu.memory_space<hbm>>) dst(%run_scoped3A_9 : memref<80xi32, #tpu.memory_space<vmem>>)
      %dma_start3A_180 = arith.constant 0 : i32
      %dma_start3A_181 = arith.constant 0 : i32
      %dma_start3A_182 = tpu.memref_slice %arg3[%dma_start3A_180, %dma_start3A_181] : memref<10000x128xf32, #tpu.memory_space<hbm>> -> memref<10000x128xf32, #tpu.memory_space<hbm>>
      tpu.enqueue_indirect_dma source(%dma_start3A_182 : memref<10000x128xf32, #tpu.memory_space<hbm>>) target(%run_scoped3A_12 : memref<80x128xf32, #tpu.memory_space<vmem>>) offsets(%run_scoped3A_3 : memref<80xi32, #tpu.memory_space<vmem>>) semaphore(%arg13 : memref<!tpu.dma_semaphore, #tpu.memory_space<semaphore_mem>>)
      %add3A_183 = arith.constant 3 : i32
      %add3A_184 = arith.constant 3 : i32
      %add3A_185 = arith.addi %add3A_183, %add3A_184 : i32
      %min3A_186 = arith.constant 124 : i32
      %min3A_187 = arith.minsi %add3A_185, %min3A_186 : i32
      %mul3A_188 = arith.constant 80 : i32
      %mul3A_189 = arith.muli %min3A_187, %mul3A_188 : i32
      %add3A_190 = arith.addi %mul3A_16, %mul3A_189 : i32
      %dma_start3A_191 = tpu.memref_slice %arg2[%add3A_190] : memref<640000xi32, #tpu.memory_space<hbm>> -> memref<80xi32, #tpu.memory_space<hbm>>
      %dma_start3A_192 = tpu.memref_slice %arg2[%add3A_190] : memref<640000xi32, #tpu.memory_space<hbm>> -> memref<80xi32, #tpu.memory_space<hbm>>
      tpu.enqueue_dma source(%dma_start3A_192 : memref<80xi32, #tpu.memory_space<hbm>>) target(%run_scoped3A : memref<80xi32, #tpu.memory_space<vmem>>) target_semaphore(%arg6 : memref<!tpu.dma_semaphore, #tpu.memory_space<semaphore_mem>>)
      %add3A_193 = arith.constant 320000 : i32
      %add3A_194 = arith.addi %add3A_193, %add3A_190 : i32
      %dma_start3A_195 = tpu.memref_slice %arg2[%add3A_194] : memref<640000xi32, #tpu.memory_space<hbm>> -> memref<80xi32, #tpu.memory_space<hbm>>
      %dma_start3A_196 = tpu.memref_slice %arg2[%add3A_194] : memref<640000xi32, #tpu.memory_space<hbm>> -> memref<80xi32, #tpu.memory_space<hbm>>
      tpu.enqueue_dma source(%dma_start3A_196 : memref<80xi32, #tpu.memory_space<hbm>>) target(%run_scoped3A_5 : memref<80xi32, #tpu.memory_space<vmem>>) target_semaphore(%arg6 : memref<!tpu.dma_semaphore, #tpu.memory_space<semaphore_mem>>)
      %dma_wait3A_197 = arith.constant 0 : i32
      %dma_wait3A_198 = arith.constant 0 : i32
      %dma_wait3A_199 = tpu.memref_slice %arg3[%dma_wait3A_197, %dma_wait3A_198] : memref<10000x128xf32, #tpu.memory_space<hbm>> -> memref<10000x128xf32, #tpu.memory_space<hbm>>
      tpu.wait_indirect_dma semaphore(%arg12 : memref<!tpu.dma_semaphore, #tpu.memory_space<semaphore_mem>>) src(%dma_wait3A_199 : memref<10000x128xf32, #tpu.memory_space<hbm>>) dst(%run_scoped3A_11 : memref<80x128xf32, #tpu.memory_space<vmem>>)
      %dma_wait3A_200 = arith.constant 0 : i32
      %dma_wait3A_201 = arith.constant 0 : i32
      %dma_wait3A_202 = tpu.memref_slice %arg5[%dma_wait3A_200, %dma_wait3A_201] : memref<10240x128xf32, #tpu.memory_space<vmem_shared>> -> memref<10240x128xf32, #tpu.memory_space<vmem_shared>>
      tpu.wait_indirect_dma semaphore(%arg17 : memref<!tpu.dma_semaphore, #tpu.memory_space<semaphore_mem>>) src(%run_scoped3A_13 : memref<80x128xf32, #tpu.memory_space<vmem>>) dst(%dma_wait3A_202 : memref<10240x128xf32, #tpu.memory_space<vmem_shared>>)
      %dma_start3A_203 = arith.constant 0 : i32
      %dma_start3A_204 = arith.constant 0 : i32
      %dma_start3A_205 = tpu.memref_slice %arg5[%dma_start3A_203, %dma_start3A_204] : memref<10240x128xf32, #tpu.memory_space<vmem_shared>> -> memref<10240x128xf32, #tpu.memory_space<vmem_shared>>
      tpu.enqueue_indirect_dma source(%run_scoped3A_11 : memref<80x128xf32, #tpu.memory_space<vmem>>) target(%dma_start3A_205 : memref<10240x128xf32, #tpu.memory_space<vmem_shared>>) offsets(%run_scoped3A_8 : memref<80xi32, #tpu.memory_space<vmem>>) semaphore(%arg15 : memref<!tpu.dma_semaphore, #tpu.memory_space<semaphore_mem>>) {add = true}
      %dma_wait3A_206 = arith.constant 0 : i32
      %dma_wait3A_207 = tpu.memref_slice %arg2[%dma_wait3A_206] : memref<640000xi32, #tpu.memory_space<hbm>> -> memref<80xi32, #tpu.memory_space<hbm>>
      %dma_wait3A_208 = arith.constant 0 : i32
      %dma_wait3A_209 = tpu.memref_slice %arg2[%dma_wait3A_208] : memref<640000xi32, #tpu.memory_space<hbm>> -> memref<80xi32, #tpu.memory_space<hbm>>
      tpu.wait_dma2 semaphore(%arg11 : memref<!tpu.dma_semaphore, #tpu.memory_space<semaphore_mem>>) src(%dma_wait3A_209 : memref<80xi32, #tpu.memory_space<hbm>>) dst(%run_scoped3A_4 : memref<80xi32, #tpu.memory_space<vmem>>)
      %dma_wait3A_210 = arith.constant 0 : i32
      %dma_wait3A_211 = tpu.memref_slice %arg2[%dma_wait3A_210] : memref<640000xi32, #tpu.memory_space<hbm>> -> memref<80xi32, #tpu.memory_space<hbm>>
      %dma_wait3A_212 = arith.constant 0 : i32
      %dma_wait3A_213 = tpu.memref_slice %arg2[%dma_wait3A_212] : memref<640000xi32, #tpu.memory_space<hbm>> -> memref<80xi32, #tpu.memory_space<hbm>>
      tpu.wait_dma2 semaphore(%arg11 : memref<!tpu.dma_semaphore, #tpu.memory_space<semaphore_mem>>) src(%dma_wait3A_213 : memref<80xi32, #tpu.memory_space<hbm>>) dst(%run_scoped3A_10 : memref<80xi32, #tpu.memory_space<vmem>>)
      %dma_start3A_214 = arith.constant 0 : i32
      %dma_start3A_215 = arith.constant 0 : i32
      %dma_start3A_216 = tpu.memref_slice %arg3[%dma_start3A_214, %dma_start3A_215] : memref<10000x128xf32, #tpu.memory_space<hbm>> -> memref<10000x128xf32, #tpu.memory_space<hbm>>
      tpu.enqueue_indirect_dma source(%dma_start3A_216 : memref<10000x128xf32, #tpu.memory_space<hbm>>) target(%run_scoped3A_13 : memref<80x128xf32, #tpu.memory_space<vmem>>) offsets(%run_scoped3A_4 : memref<80xi32, #tpu.memory_space<vmem>>) semaphore(%arg14 : memref<!tpu.dma_semaphore, #tpu.memory_space<semaphore_mem>>)
      %add3A_217 = arith.constant 4 : i32
      %add3A_218 = arith.constant 3 : i32
      %add3A_219 = arith.addi %add3A_217, %add3A_218 : i32
      %min3A_220 = arith.constant 124 : i32
      %min3A_221 = arith.minsi %add3A_219, %min3A_220 : i32
      %mul3A_222 = arith.constant 80 : i32
      %mul3A_223 = arith.muli %min3A_221, %mul3A_222 : i32
      %add3A_224 = arith.addi %mul3A_16, %mul3A_223 : i32
      %dma_start3A_225 = tpu.memref_slice %arg2[%add3A_224] : memref<640000xi32, #tpu.memory_space<hbm>> -> memref<80xi32, #tpu.memory_space<hbm>>
      %dma_start3A_226 = tpu.memref_slice %arg2[%add3A_224] : memref<640000xi32, #tpu.memory_space<hbm>> -> memref<80xi32, #tpu.memory_space<hbm>>
      tpu.enqueue_dma source(%dma_start3A_226 : memref<80xi32, #tpu.memory_space<hbm>>) target(%run_scoped3A_0 : memref<80xi32, #tpu.memory_space<vmem>>) target_semaphore(%arg7 : memref<!tpu.dma_semaphore, #tpu.memory_space<semaphore_mem>>)
      %add3A_227 = arith.constant 320000 : i32
      %add3A_228 = arith.addi %add3A_227, %add3A_224 : i32
      %dma_start3A_229 = tpu.memref_slice %arg2[%add3A_228] : memref<640000xi32, #tpu.memory_space<hbm>> -> memref<80xi32, #tpu.memory_space<hbm>>
      %dma_start3A_230 = tpu.memref_slice %arg2[%add3A_228] : memref<640000xi32, #tpu.memory_space<hbm>> -> memref<80xi32, #tpu.memory_space<hbm>>
      tpu.enqueue_dma source(%dma_start3A_230 : memref<80xi32, #tpu.memory_space<hbm>>) target(%run_scoped3A_6 : memref<80xi32, #tpu.memory_space<vmem>>) target_semaphore(%arg7 : memref<!tpu.dma_semaphore, #tpu.memory_space<semaphore_mem>>)
      %dma_wait3A_231 = arith.constant 0 : i32
      %dma_wait3A_232 = arith.constant 0 : i32
      %dma_wait3A_233 = tpu.memref_slice %arg3[%dma_wait3A_231, %dma_wait3A_232] : memref<10000x128xf32, #tpu.memory_space<hbm>> -> memref<10000x128xf32, #tpu.memory_space<hbm>>
      tpu.wait_indirect_dma semaphore(%arg13 : memref<!tpu.dma_semaphore, #tpu.memory_space<semaphore_mem>>) src(%dma_wait3A_233 : memref<10000x128xf32, #tpu.memory_space<hbm>>) dst(%run_scoped3A_12 : memref<80x128xf32, #tpu.memory_space<vmem>>)
      %dma_wait3A_234 = arith.constant 0 : i32
      %dma_wait3A_235 = arith.constant 0 : i32
      %dma_wait3A_236 = tpu.memref_slice %arg5[%dma_wait3A_234, %dma_wait3A_235] : memref<10240x128xf32, #tpu.memory_space<vmem_shared>> -> memref<10240x128xf32, #tpu.memory_space<vmem_shared>>
      tpu.wait_indirect_dma semaphore(%arg15 : memref<!tpu.dma_semaphore, #tpu.memory_space<semaphore_mem>>) src(%run_scoped3A_11 : memref<80x128xf32, #tpu.memory_space<vmem>>) dst(%dma_wait3A_236 : memref<10240x128xf32, #tpu.memory_space<vmem_shared>>)
      %dma_start3A_237 = arith.constant 0 : i32
      %dma_start3A_238 = arith.constant 0 : i32
      %dma_start3A_239 = tpu.memref_slice %arg5[%dma_start3A_237, %dma_start3A_238] : memref<10240x128xf32, #tpu.memory_space<vmem_shared>> -> memref<10240x128xf32, #tpu.memory_space<vmem_shared>>
      tpu.enqueue_indirect_dma source(%run_scoped3A_12 : memref<80x128xf32, #tpu.memory_space<vmem>>) target(%dma_start3A_239 : memref<10240x128xf32, #tpu.memory_space<vmem_shared>>) offsets(%run_scoped3A_9 : memref<80xi32, #tpu.memory_space<vmem>>) semaphore(%arg16 : memref<!tpu.dma_semaphore, #tpu.memory_space<semaphore_mem>>) {add = true}
      %dma_wait3A_240 = arith.constant 0 : i32
      %dma_wait3A_241 = tpu.memref_slice %arg2[%dma_wait3A_240] : memref<640000xi32, #tpu.memory_space<hbm>> -> memref<80xi32, #tpu.memory_space<hbm>>
      %dma_wait3A_242 = arith.constant 0 : i32
      %dma_wait3A_243 = tpu.memref_slice %arg2[%dma_wait3A_242] : memref<640000xi32, #tpu.memory_space<hbm>> -> memref<80xi32, #tpu.memory_space<hbm>>
      tpu.wait_dma2 semaphore(%arg6 : memref<!tpu.dma_semaphore, #tpu.memory_space<semaphore_mem>>) src(%dma_wait3A_243 : memref<80xi32, #tpu.memory_space<hbm>>) dst(%run_scoped3A : memref<80xi32, #tpu.memory_space<vmem>>)
      %dma_wait3A_244 = arith.constant 0 : i32
      %dma_wait3A_245 = tpu.memref_slice %arg2[%dma_wait3A_244] : memref<640000xi32, #tpu.memory_space<hbm>> -> memref<80xi32, #tpu.memory_space<hbm>>
      %dma_wait3A_246 = arith.constant 0 : i32
      %dma_wait3A_247 = tpu.memref_slice %arg2[%dma_wait3A_246] : memref<640000xi32, #tpu.memory_space<hbm>> -> memref<80xi32, #tpu.memory_space<hbm>>
      tpu.wait_dma2 semaphore(%arg6 : memref<!tpu.dma_semaphore, #tpu.memory_space<semaphore_mem>>) src(%dma_wait3A_247 : memref<80xi32, #tpu.memory_space<hbm>>) dst(%run_scoped3A_5 : memref<80xi32, #tpu.memory_space<vmem>>)
      %dma_start3A_248 = arith.constant 0 : i32
      %dma_start3A_249 = arith.constant 0 : i32
      %dma_start3A_250 = tpu.memref_slice %arg3[%dma_start3A_248, %dma_start3A_249] : memref<10000x128xf32, #tpu.memory_space<hbm>> -> memref<10000x128xf32, #tpu.memory_space<hbm>>
      tpu.enqueue_indirect_dma source(%dma_start3A_250 : memref<10000x128xf32, #tpu.memory_space<hbm>>) target(%run_scoped3A_11 : memref<80x128xf32, #tpu.memory_space<vmem>>) offsets(%run_scoped3A : memref<80xi32, #tpu.memory_space<vmem>>) semaphore(%arg12 : memref<!tpu.dma_semaphore, #tpu.memory_space<semaphore_mem>>)
      %scan3A_251 = arith.constant 0 : i32
      %scan3A_252 = arith.constant 0 : i32
      %scan3A_253 = arith.constant 20 : i32
      %scan3A_254 = arith.addi %scan3A_252, %scan3A_253 : i32
      %scan3A_255 = arith.constant 1 : i32
      scf.for %scan3A_275 = %scan3A_252 to %scan3A_254 step %scan3A_255  : i32 {
        %mul3A_276 = arith.constant 6 : i32
        %mul3A_277 = arith.muli %mul3A_276, %scan3A_275 : i32
        %add3A_278 = arith.constant 5 : i32
        %add3A_279 = arith.addi %mul3A_277, %add3A_278 : i32
        %add3A_280 = arith.constant 0 : i32
        %add3A_281 = arith.addi %add3A_279, %add3A_280 : i32
        %add3A_282 = arith.constant 3 : i32
        %add3A_283 = arith.addi %add3A_281, %add3A_282 : i32
        %min3A_284 = arith.constant 124 : i32
        %min3A_285 = arith.minsi %add3A_283, %min3A_284 : i32
        %mul3A_286 = arith.constant 80 : i32
        %mul3A_287 = arith.muli %min3A_285, %mul3A_286 : i32
        %add3A_288 = arith.addi %mul3A_16, %mul3A_287 : i32
        %dma_start3A_289 = tpu.memref_slice %arg2[%add3A_288] : memref<640000xi32, #tpu.memory_space<hbm>> -> memref<80xi32, #tpu.memory_space<hbm>>
        %dma_start3A_290 = tpu.memref_slice %arg2[%add3A_288] : memref<640000xi32, #tpu.memory_space<hbm>> -> memref<80xi32, #tpu.memory_space<hbm>>
        tpu.enqueue_dma source(%dma_start3A_290 : memref<80xi32, #tpu.memory_space<hbm>>) target(%run_scoped3A_1 : memref<80xi32, #tpu.memory_space<vmem>>) target_semaphore(%arg8 : memref<!tpu.dma_semaphore, #tpu.memory_space<semaphore_mem>>)
        %add3A_291 = arith.constant 320000 : i32
        %add3A_292 = arith.addi %add3A_291, %add3A_288 : i32
        %dma_start3A_293 = tpu.memref_slice %arg2[%add3A_292] : memref<640000xi32, #tpu.memory_space<hbm>> -> memref<80xi32, #tpu.memory_space<hbm>>
        %dma_start3A_294 = tpu.memref_slice %arg2[%add3A_292] : memref<640000xi32, #tpu.memory_space<hbm>> -> memref<80xi32, #tpu.memory_space<hbm>>
        tpu.enqueue_dma source(%dma_start3A_294 : memref<80xi32, #tpu.memory_space<hbm>>) target(%run_scoped3A_7 : memref<80xi32, #tpu.memory_space<vmem>>) target_semaphore(%arg8 : memref<!tpu.dma_semaphore, #tpu.memory_space<semaphore_mem>>)
        %dma_wait3A_295 = arith.constant 0 : i32
        %dma_wait3A_296 = arith.constant 0 : i32
        %dma_wait3A_297 = tpu.memref_slice %arg3[%dma_wait3A_295, %dma_wait3A_296] : memref<10000x128xf32, #tpu.memory_space<hbm>> -> memref<10000x128xf32, #tpu.memory_space<hbm>>
        tpu.wait_indirect_dma semaphore(%arg14 : memref<!tpu.dma_semaphore, #tpu.memory_space<semaphore_mem>>) src(%dma_wait3A_297 : memref<10000x128xf32, #tpu.memory_space<hbm>>) dst(%run_scoped3A_13 : memref<80x128xf32, #tpu.memory_space<vmem>>)
        %dma_wait3A_298 = arith.constant 0 : i32
        %dma_wait3A_299 = arith.constant 0 : i32
        %dma_wait3A_300 = tpu.memref_slice %arg5[%dma_wait3A_298, %dma_wait3A_299] : memref<10240x128xf32, #tpu.memory_space<vmem_shared>> -> memref<10240x128xf32, #tpu.memory_space<vmem_shared>>
        tpu.wait_indirect_dma semaphore(%arg16 : memref<!tpu.dma_semaphore, #tpu.memory_space<semaphore_mem>>) src(%run_scoped3A_12 : memref<80x128xf32, #tpu.memory_space<vmem>>) dst(%dma_wait3A_300 : memref<10240x128xf32, #tpu.memory_space<vmem_shared>>)
        %dma_start3A_301 = arith.constant 0 : i32
        %dma_start3A_302 = arith.constant 0 : i32
        %dma_start3A_303 = tpu.memref_slice %arg5[%dma_start3A_301, %dma_start3A_302] : memref<10240x128xf32, #tpu.memory_space<vmem_shared>> -> memref<10240x128xf32, #tpu.memory_space<vmem_shared>>
        tpu.enqueue_indirect_dma source(%run_scoped3A_13 : memref<80x128xf32, #tpu.memory_space<vmem>>) target(%dma_start3A_303 : memref<10240x128xf32, #tpu.memory_space<vmem_shared>>) offsets(%run_scoped3A_10 : memref<80xi32, #tpu.memory_space<vmem>>) semaphore(%arg17 : memref<!tpu.dma_semaphore, #tpu.memory_space<semaphore_mem>>) {add = true}
        %dma_wait3A_304 = arith.constant 0 : i32
        %dma_wait3A_305 = tpu.memref_slice %arg2[%dma_wait3A_304] : memref<640000xi32, #tpu.memory_space<hbm>> -> memref<80xi32, #tpu.memory_space<hbm>>
        %dma_wait3A_306 = arith.constant 0 : i32
        %dma_wait3A_307 = tpu.memref_slice %arg2[%dma_wait3A_306] : memref<640000xi32, #tpu.memory_space<hbm>> -> memref<80xi32, #tpu.memory_space<hbm>>
        tpu.wait_dma2 semaphore(%arg7 : memref<!tpu.dma_semaphore, #tpu.memory_space<semaphore_mem>>) src(%dma_wait3A_307 : memref<80xi32, #tpu.memory_space<hbm>>) dst(%run_scoped3A_0 : memref<80xi32, #tpu.memory_space<vmem>>)
        %dma_wait3A_308 = arith.constant 0 : i32
        %dma_wait3A_309 = tpu.memref_slice %arg2[%dma_wait3A_308] : memref<640000xi32, #tpu.memory_space<hbm>> -> memref<80xi32, #tpu.memory_space<hbm>>
        %dma_wait3A_310 = arith.constant 0 : i32
        %dma_wait3A_311 = tpu.memref_slice %arg2[%dma_wait3A_310] : memref<640000xi32, #tpu.memory_space<hbm>> -> memref<80xi32, #tpu.memory_space<hbm>>
        tpu.wait_dma2 semaphore(%arg7 : memref<!tpu.dma_semaphore, #tpu.memory_space<semaphore_mem>>) src(%dma_wait3A_311 : memref<80xi32, #tpu.memory_space<hbm>>) dst(%run_scoped3A_6 : memref<80xi32, #tpu.memory_space<vmem>>)
        %dma_start3A_312 = arith.constant 0 : i32
        %dma_start3A_313 = arith.constant 0 : i32
        %dma_start3A_314 = tpu.memref_slice %arg3[%dma_start3A_312, %dma_start3A_313] : memref<10000x128xf32, #tpu.memory_space<hbm>> -> memref<10000x128xf32, #tpu.memory_space<hbm>>
        tpu.enqueue_indirect_dma source(%dma_start3A_314 : memref<10000x128xf32, #tpu.memory_space<hbm>>) target(%run_scoped3A_12 : memref<80x128xf32, #tpu.memory_space<vmem>>) offsets(%run_scoped3A_0 : memref<80xi32, #tpu.memory_space<vmem>>) semaphore(%arg13 : memref<!tpu.dma_semaphore, #tpu.memory_space<semaphore_mem>>)
        %add3A_315 = arith.constant 1 : i32
        %add3A_316 = arith.addi %add3A_279, %add3A_315 : i32
        %add3A_317 = arith.constant 3 : i32
        %add3A_318 = arith.addi %add3A_316, %add3A_317 : i32
        %min3A_319 = arith.constant 124 : i32
        %min3A_320 = arith.minsi %add3A_318, %min3A_319 : i32
        %mul3A_321 = arith.constant 80 : i32
        %mul3A_322 = arith.muli %min3A_320, %mul3A_321 : i32
        %add3A_323 = arith.addi %mul3A_16, %mul3A_322 : i32
        %dma_start3A_324 = tpu.memref_slice %arg2[%add3A_323] : memref<640000xi32, #tpu.memory_space<hbm>> -> memref<80xi32, #tpu.memory_space<hbm>>
        %dma_start3A_325 = tpu.memref_slice %arg2[%add3A_323] : memref<640000xi32, #tpu.memory_space<hbm>> -> memref<80xi32, #tpu.memory_space<hbm>>
        tpu.enqueue_dma source(%dma_start3A_325 : memref<80xi32, #tpu.memory_space<hbm>>) target(%run_scoped3A_2 : memref<80xi32, #tpu.memory_space<vmem>>) target_semaphore(%arg9 : memref<!tpu.dma_semaphore, #tpu.memory_space<semaphore_mem>>)
        %add3A_326 = arith.constant 320000 : i32
        %add3A_327 = arith.addi %add3A_326, %add3A_323 : i32
        %dma_start3A_328 = tpu.memref_slice %arg2[%add3A_327] : memref<640000xi32, #tpu.memory_space<hbm>> -> memref<80xi32, #tpu.memory_space<hbm>>
        %dma_start3A_329 = tpu.memref_slice %arg2[%add3A_327] : memref<640000xi32, #tpu.memory_space<hbm>> -> memref<80xi32, #tpu.memory_space<hbm>>
        tpu.enqueue_dma source(%dma_start3A_329 : memref<80xi32, #tpu.memory_space<hbm>>) target(%run_scoped3A_8 : memref<80xi32, #tpu.memory_space<vmem>>) target_semaphore(%arg9 : memref<!tpu.dma_semaphore, #tpu.memory_space<semaphore_mem>>)
        %dma_wait3A_330 = arith.constant 0 : i32
        %dma_wait3A_331 = arith.constant 0 : i32
        %dma_wait3A_332 = tpu.memref_slice %arg3[%dma_wait3A_330, %dma_wait3A_331] : memref<10000x128xf32, #tpu.memory_space<hbm>> -> memref<10000x128xf32, #tpu.memory_space<hbm>>
        tpu.wait_indirect_dma semaphore(%arg12 : memref<!tpu.dma_semaphore, #tpu.memory_space<semaphore_mem>>) src(%dma_wait3A_332 : memref<10000x128xf32, #tpu.memory_space<hbm>>) dst(%run_scoped3A_11 : memref<80x128xf32, #tpu.memory_space<vmem>>)
        %dma_wait3A_333 = arith.constant 0 : i32
        %dma_wait3A_334 = arith.constant 0 : i32
        %dma_wait3A_335 = tpu.memref_slice %arg5[%dma_wait3A_333, %dma_wait3A_334] : memref<10240x128xf32, #tpu.memory_space<vmem_shared>> -> memref<10240x128xf32, #tpu.memory_space<vmem_shared>>
        tpu.wait_indirect_dma semaphore(%arg17 : memref<!tpu.dma_semaphore, #tpu.memory_space<semaphore_mem>>) src(%run_scoped3A_13 : memref<80x128xf32, #tpu.memory_space<vmem>>) dst(%dma_wait3A_335 : memref<10240x128xf32, #tpu.memory_space<vmem_shared>>)
        %dma_start3A_336 = arith.constant 0 : i32
        %dma_start3A_337 = arith.constant 0 : i32
        %dma_start3A_338 = tpu.memref_slice %arg5[%dma_start3A_336, %dma_start3A_337] : memref<10240x128xf32, #tpu.memory_space<vmem_shared>> -> memref<10240x128xf32, #tpu.memory_space<vmem_shared>>
        tpu.enqueue_indirect_dma source(%run_scoped3A_11 : memref<80x128xf32, #tpu.memory_space<vmem>>) target(%dma_start3A_338 : memref<10240x128xf32, #tpu.memory_space<vmem_shared>>) offsets(%run_scoped3A_5 : memref<80xi32, #tpu.memory_space<vmem>>) semaphore(%arg15 : memref<!tpu.dma_semaphore, #tpu.memory_space<semaphore_mem>>) {add = true}
        %dma_wait3A_339 = arith.constant 0 : i32
        %dma_wait3A_340 = tpu.memref_slice %arg2[%dma_wait3A_339] : memref<640000xi32, #tpu.memory_space<hbm>> -> memref<80xi32, #tpu.memory_space<hbm>>
        %dma_wait3A_341 = arith.constant 0 : i32
        %dma_wait3A_342 = tpu.memref_slice %arg2[%dma_wait3A_341] : memref<640000xi32, #tpu.memory_space<hbm>> -> memref<80xi32, #tpu.memory_space<hbm>>
        tpu.wait_dma2 semaphore(%arg8 : memref<!tpu.dma_semaphore, #tpu.memory_space<semaphore_mem>>) src(%dma_wait3A_342 : memref<80xi32, #tpu.memory_space<hbm>>) dst(%run_scoped3A_1 : memref<80xi32, #tpu.memory_space<vmem>>)
        %dma_wait3A_343 = arith.constant 0 : i32
        %dma_wait3A_344 = tpu.memref_slice %arg2[%dma_wait3A_343] : memref<640000xi32, #tpu.memory_space<hbm>> -> memref<80xi32, #tpu.memory_space<hbm>>
        %dma_wait3A_345 = arith.constant 0 : i32
        %dma_wait3A_346 = tpu.memref_slice %arg2[%dma_wait3A_345] : memref<640000xi32, #tpu.memory_space<hbm>> -> memref<80xi32, #tpu.memory_space<hbm>>
        tpu.wait_dma2 semaphore(%arg8 : memref<!tpu.dma_semaphore, #tpu.memory_space<semaphore_mem>>) src(%dma_wait3A_346 : memref<80xi32, #tpu.memory_space<hbm>>) dst(%run_scoped3A_7 : memref<80xi32, #tpu.memory_space<vmem>>)
        %dma_start3A_347 = arith.constant 0 : i32
        %dma_start3A_348 = arith.constant 0 : i32
        %dma_start3A_349 = tpu.memref_slice %arg3[%dma_start3A_347, %dma_start3A_348] : memref<10000x128xf32, #tpu.memory_space<hbm>> -> memref<10000x128xf32, #tpu.memory_space<hbm>>
        tpu.enqueue_indirect_dma source(%dma_start3A_349 : memref<10000x128xf32, #tpu.memory_space<hbm>>) target(%run_scoped3A_13 : memref<80x128xf32, #tpu.memory_space<vmem>>) offsets(%run_scoped3A_1 : memref<80xi32, #tpu.memory_space<vmem>>) semaphore(%arg14 : memref<!tpu.dma_semaphore, #tpu.memory_space<semaphore_mem>>)
        %add3A_350 = arith.constant 2 : i32
        %add3A_351 = arith.addi %add3A_279, %add3A_350 : i32
        %add3A_352 = arith.constant 3 : i32
        %add3A_353 = arith.addi %add3A_351, %add3A_352 : i32
        %min3A_354 = arith.constant 124 : i32
        %min3A_355 = arith.minsi %add3A_353, %min3A_354 : i32
        %mul3A_356 = arith.constant 80 : i32
        %mul3A_357 = arith.muli %min3A_355, %mul3A_356 : i32
        %add3A_358 = arith.addi %mul3A_16, %mul3A_357 : i32
        %dma_start3A_359 = tpu.memref_slice %arg2[%add3A_358] : memref<640000xi32, #tpu.memory_space<hbm>> -> memref<80xi32, #tpu.memory_space<hbm>>
        %dma_start3A_360 = tpu.memref_slice %arg2[%add3A_358] : memref<640000xi32, #tpu.memory_space<hbm>> -> memref<80xi32, #tpu.memory_space<hbm>>
        tpu.enqueue_dma source(%dma_start3A_360 : memref<80xi32, #tpu.memory_space<hbm>>) target(%run_scoped3A_3 : memref<80xi32, #tpu.memory_space<vmem>>) target_semaphore(%arg10 : memref<!tpu.dma_semaphore, #tpu.memory_space<semaphore_mem>>)
        %add3A_361 = arith.constant 320000 : i32
        %add3A_362 = arith.addi %add3A_361, %add3A_358 : i32
        %dma_start3A_363 = tpu.memref_slice %arg2[%add3A_362] : memref<640000xi32, #tpu.memory_space<hbm>> -> memref<80xi32, #tpu.memory_space<hbm>>
        %dma_start3A_364 = tpu.memref_slice %arg2[%add3A_362] : memref<640000xi32, #tpu.memory_space<hbm>> -> memref<80xi32, #tpu.memory_space<hbm>>
        tpu.enqueue_dma source(%dma_start3A_364 : memref<80xi32, #tpu.memory_space<hbm>>) target(%run_scoped3A_9 : memref<80xi32, #tpu.memory_space<vmem>>) target_semaphore(%arg10 : memref<!tpu.dma_semaphore, #tpu.memory_space<semaphore_mem>>)
        %dma_wait3A_365 = arith.constant 0 : i32
        %dma_wait3A_366 = arith.constant 0 : i32
        %dma_wait3A_367 = tpu.memref_slice %arg3[%dma_wait3A_365, %dma_wait3A_366] : memref<10000x128xf32, #tpu.memory_space<hbm>> -> memref<10000x128xf32, #tpu.memory_space<hbm>>
        tpu.wait_indirect_dma semaphore(%arg13 : memref<!tpu.dma_semaphore, #tpu.memory_space<semaphore_mem>>) src(%dma_wait3A_367 : memref<10000x128xf32, #tpu.memory_space<hbm>>) dst(%run_scoped3A_12 : memref<80x128xf32, #tpu.memory_space<vmem>>)
        %dma_wait3A_368 = arith.constant 0 : i32
        %dma_wait3A_369 = arith.constant 0 : i32
        %dma_wait3A_370 = tpu.memref_slice %arg5[%dma_wait3A_368, %dma_wait3A_369] : memref<10240x128xf32, #tpu.memory_space<vmem_shared>> -> memref<10240x128xf32, #tpu.memory_space<vmem_shared>>
        tpu.wait_indirect_dma semaphore(%arg15 : memref<!tpu.dma_semaphore, #tpu.memory_space<semaphore_mem>>) src(%run_scoped3A_11 : memref<80x128xf32, #tpu.memory_space<vmem>>) dst(%dma_wait3A_370 : memref<10240x128xf32, #tpu.memory_space<vmem_shared>>)
        %dma_start3A_371 = arith.constant 0 : i32
        %dma_start3A_372 = arith.constant 0 : i32
        %dma_start3A_373 = tpu.memref_slice %arg5[%dma_start3A_371, %dma_start3A_372] : memref<10240x128xf32, #tpu.memory_space<vmem_shared>> -> memref<10240x128xf32, #tpu.memory_space<vmem_shared>>
        tpu.enqueue_indirect_dma source(%run_scoped3A_12 : memref<80x128xf32, #tpu.memory_space<vmem>>) target(%dma_start3A_373 : memref<10240x128xf32, #tpu.memory_space<vmem_shared>>) offsets(%run_scoped3A_6 : memref<80xi32, #tpu.memory_space<vmem>>) semaphore(%arg16 : memref<!tpu.dma_semaphore, #tpu.memory_space<semaphore_mem>>) {add = true}
        %dma_wait3A_374 = arith.constant 0 : i32
        %dma_wait3A_375 = tpu.memref_slice %arg2[%dma_wait3A_374] : memref<640000xi32, #tpu.memory_space<hbm>> -> memref<80xi32, #tpu.memory_space<hbm>>
        %dma_wait3A_376 = arith.constant 0 : i32
        %dma_wait3A_377 = tpu.memref_slice %arg2[%dma_wait3A_376] : memref<640000xi32, #tpu.memory_space<hbm>> -> memref<80xi32, #tpu.memory_space<hbm>>
        tpu.wait_dma2 semaphore(%arg9 : memref<!tpu.dma_semaphore, #tpu.memory_space<semaphore_mem>>) src(%dma_wait3A_377 : memref<80xi32, #tpu.memory_space<hbm>>) dst(%run_scoped3A_2 : memref<80xi32, #tpu.memory_space<vmem>>)
        %dma_wait3A_378 = arith.constant 0 : i32
        %dma_wait3A_379 = tpu.memref_slice %arg2[%dma_wait3A_378] : memref<640000xi32, #tpu.memory_space<hbm>> -> memref<80xi32, #tpu.memory_space<hbm>>
        %dma_wait3A_380 = arith.constant 0 : i32
        %dma_wait3A_381 = tpu.memref_slice %arg2[%dma_wait3A_380] : memref<640000xi32, #tpu.memory_space<hbm>> -> memref<80xi32, #tpu.memory_space<hbm>>
        tpu.wait_dma2 semaphore(%arg9 : memref<!tpu.dma_semaphore, #tpu.memory_space<semaphore_mem>>) src(%dma_wait3A_381 : memref<80xi32, #tpu.memory_space<hbm>>) dst(%run_scoped3A_8 : memref<80xi32, #tpu.memory_space<vmem>>)
        %dma_start3A_382 = arith.constant 0 : i32
        %dma_start3A_383 = arith.constant 0 : i32
        %dma_start3A_384 = tpu.memref_slice %arg3[%dma_start3A_382, %dma_start3A_383] : memref<10000x128xf32, #tpu.memory_space<hbm>> -> memref<10000x128xf32, #tpu.memory_space<hbm>>
        tpu.enqueue_indirect_dma source(%dma_start3A_384 : memref<10000x128xf32, #tpu.memory_space<hbm>>) target(%run_scoped3A_11 : memref<80x128xf32, #tpu.memory_space<vmem>>) offsets(%run_scoped3A_2 : memref<80xi32, #tpu.memory_space<vmem>>) semaphore(%arg12 : memref<!tpu.dma_semaphore, #tpu.memory_space<semaphore_mem>>)
        %add3A_385 = arith.constant 3 : i32
        %add3A_386 = arith.addi %add3A_279, %add3A_385 : i32
        %add3A_387 = arith.constant 3 : i32
        %add3A_388 = arith.addi %add3A_386, %add3A_387 : i32
        %min3A_389 = arith.constant 124 : i32
        %min3A_390 = arith.minsi %add3A_388, %min3A_389 : i32
        %mul3A_391 = arith.constant 80 : i32
        %mul3A_392 = arith.muli %min3A_390, %mul3A_391 : i32
        %add3A_393 = arith.addi %mul3A_16, %mul3A_392 : i32
        %dma_start3A_394 = tpu.memref_slice %arg2[%add3A_393] : memref<640000xi32, #tpu.memory_space<hbm>> -> memref<80xi32, #tpu.memory_space<hbm>>
        %dma_start3A_395 = tpu.memref_slice %arg2[%add3A_393] : memref<640000xi32, #tpu.memory_space<hbm>> -> memref<80xi32, #tpu.memory_space<hbm>>
        tpu.enqueue_dma source(%dma_start3A_395 : memref<80xi32, #tpu.memory_space<hbm>>) target(%run_scoped3A_4 : memref<80xi32, #tpu.memory_space<vmem>>) target_semaphore(%arg11 : memref<!tpu.dma_semaphore, #tpu.memory_space<semaphore_mem>>)
        %add3A_396 = arith.constant 320000 : i32
        %add3A_397 = arith.addi %add3A_396, %add3A_393 : i32
        %dma_start3A_398 = tpu.memref_slice %arg2[%add3A_397] : memref<640000xi32, #tpu.memory_space<hbm>> -> memref<80xi32, #tpu.memory_space<hbm>>
        %dma_start3A_399 = tpu.memref_slice %arg2[%add3A_397] : memref<640000xi32, #tpu.memory_space<hbm>> -> memref<80xi32, #tpu.memory_space<hbm>>
        tpu.enqueue_dma source(%dma_start3A_399 : memref<80xi32, #tpu.memory_space<hbm>>) target(%run_scoped3A_10 : memref<80xi32, #tpu.memory_space<vmem>>) target_semaphore(%arg11 : memref<!tpu.dma_semaphore, #tpu.memory_space<semaphore_mem>>)
        %dma_wait3A_400 = arith.constant 0 : i32
        %dma_wait3A_401 = arith.constant 0 : i32
        %dma_wait3A_402 = tpu.memref_slice %arg3[%dma_wait3A_400, %dma_wait3A_401] : memref<10000x128xf32, #tpu.memory_space<hbm>> -> memref<10000x128xf32, #tpu.memory_space<hbm>>
        tpu.wait_indirect_dma semaphore(%arg14 : memref<!tpu.dma_semaphore, #tpu.memory_space<semaphore_mem>>) src(%dma_wait3A_402 : memref<10000x128xf32, #tpu.memory_space<hbm>>) dst(%run_scoped3A_13 : memref<80x128xf32, #tpu.memory_space<vmem>>)
        %dma_wait3A_403 = arith.constant 0 : i32
        %dma_wait3A_404 = arith.constant 0 : i32
        %dma_wait3A_405 = tpu.memref_slice %arg5[%dma_wait3A_403, %dma_wait3A_404] : memref<10240x128xf32, #tpu.memory_space<vmem_shared>> -> memref<10240x128xf32, #tpu.memory_space<vmem_shared>>
        tpu.wait_indirect_dma semaphore(%arg16 : memref<!tpu.dma_semaphore, #tpu.memory_space<semaphore_mem>>) src(%run_scoped3A_12 : memref<80x128xf32, #tpu.memory_space<vmem>>) dst(%dma_wait3A_405 : memref<10240x128xf32, #tpu.memory_space<vmem_shared>>)
        %dma_start3A_406 = arith.constant 0 : i32
        %dma_start3A_407 = arith.constant 0 : i32
        %dma_start3A_408 = tpu.memref_slice %arg5[%dma_start3A_406, %dma_start3A_407] : memref<10240x128xf32, #tpu.memory_space<vmem_shared>> -> memref<10240x128xf32, #tpu.memory_space<vmem_shared>>
        tpu.enqueue_indirect_dma source(%run_scoped3A_13 : memref<80x128xf32, #tpu.memory_space<vmem>>) target(%dma_start3A_408 : memref<10240x128xf32, #tpu.memory_space<vmem_shared>>) offsets(%run_scoped3A_7 : memref<80xi32, #tpu.memory_space<vmem>>) semaphore(%arg17 : memref<!tpu.dma_semaphore, #tpu.memory_space<semaphore_mem>>) {add = true}
        %dma_wait3A_409 = arith.constant 0 : i32
        %dma_wait3A_410 = tpu.memref_slice %arg2[%dma_wait3A_409] : memref<640000xi32, #tpu.memory_space<hbm>> -> memref<80xi32, #tpu.memory_space<hbm>>
        %dma_wait3A_411 = arith.constant 0 : i32
        %dma_wait3A_412 = tpu.memref_slice %arg2[%dma_wait3A_411] : memref<640000xi32, #tpu.memory_space<hbm>> -> memref<80xi32, #tpu.memory_space<hbm>>
        tpu.wait_dma2 semaphore(%arg10 : memref<!tpu.dma_semaphore, #tpu.memory_space<semaphore_mem>>) src(%dma_wait3A_412 : memref<80xi32, #tpu.memory_space<hbm>>) dst(%run_scoped3A_3 : memref<80xi32, #tpu.memory_space<vmem>>)
        %dma_wait3A_413 = arith.constant 0 : i32
        %dma_wait3A_414 = tpu.memref_slice %arg2[%dma_wait3A_413] : memref<640000xi32, #tpu.memory_space<hbm>> -> memref<80xi32, #tpu.memory_space<hbm>>
        %dma_wait3A_415 = arith.constant 0 : i32
        %dma_wait3A_416 = tpu.memref_slice %arg2[%dma_wait3A_415] : memref<640000xi32, #tpu.memory_space<hbm>> -> memref<80xi32, #tpu.memory_space<hbm>>
        tpu.wait_dma2 semaphore(%arg10 : memref<!tpu.dma_semaphore, #tpu.memory_space<semaphore_mem>>) src(%dma_wait3A_416 : memref<80xi32, #tpu.memory_space<hbm>>) dst(%run_scoped3A_9 : memref<80xi32, #tpu.memory_space<vmem>>)
        %dma_start3A_417 = arith.constant 0 : i32
        %dma_start3A_418 = arith.constant 0 : i32
        %dma_start3A_419 = tpu.memref_slice %arg3[%dma_start3A_417, %dma_start3A_418] : memref<10000x128xf32, #tpu.memory_space<hbm>> -> memref<10000x128xf32, #tpu.memory_space<hbm>>
        tpu.enqueue_indirect_dma source(%dma_start3A_419 : memref<10000x128xf32, #tpu.memory_space<hbm>>) target(%run_scoped3A_12 : memref<80x128xf32, #tpu.memory_space<vmem>>) offsets(%run_scoped3A_3 : memref<80xi32, #tpu.memory_space<vmem>>) semaphore(%arg13 : memref<!tpu.dma_semaphore, #tpu.memory_space<semaphore_mem>>)
        %add3A_420 = arith.constant 4 : i32
        %add3A_421 = arith.addi %add3A_279, %add3A_420 : i32
        %add3A_422 = arith.constant 3 : i32
        %add3A_423 = arith.addi %add3A_421, %add3A_422 : i32
        %min3A_424 = arith.constant 124 : i32
        %min3A_425 = arith.minsi %add3A_423, %min3A_424 : i32
        %mul3A_426 = arith.constant 80 : i32
        %mul3A_427 = arith.muli %min3A_425, %mul3A_426 : i32
        %add3A_428 = arith.addi %mul3A_16, %mul3A_427 : i32
        %dma_start3A_429 = tpu.memref_slice %arg2[%add3A_428] : memref<640000xi32, #tpu.memory_space<hbm>> -> memref<80xi32, #tpu.memory_space<hbm>>
        %dma_start3A_430 = tpu.memref_slice %arg2[%add3A_428] : memref<640000xi32, #tpu.memory_space<hbm>> -> memref<80xi32, #tpu.memory_space<hbm>>
        tpu.enqueue_dma source(%dma_start3A_430 : memref<80xi32, #tpu.memory_space<hbm>>) target(%run_scoped3A : memref<80xi32, #tpu.memory_space<vmem>>) target_semaphore(%arg6 : memref<!tpu.dma_semaphore, #tpu.memory_space<semaphore_mem>>)
        %add3A_431 = arith.constant 320000 : i32
        %add3A_432 = arith.addi %add3A_431, %add3A_428 : i32
        %dma_start3A_433 = tpu.memref_slice %arg2[%add3A_432] : memref<640000xi32, #tpu.memory_space<hbm>> -> memref<80xi32, #tpu.memory_space<hbm>>
        %dma_start3A_434 = tpu.memref_slice %arg2[%add3A_432] : memref<640000xi32, #tpu.memory_space<hbm>> -> memref<80xi32, #tpu.memory_space<hbm>>
        tpu.enqueue_dma source(%dma_start3A_434 : memref<80xi32, #tpu.memory_space<hbm>>) target(%run_scoped3A_5 : memref<80xi32, #tpu.memory_space<vmem>>) target_semaphore(%arg6 : memref<!tpu.dma_semaphore, #tpu.memory_space<semaphore_mem>>)
        %dma_wait3A_435 = arith.constant 0 : i32
        %dma_wait3A_436 = arith.constant 0 : i32
        %dma_wait3A_437 = tpu.memref_slice %arg3[%dma_wait3A_435, %dma_wait3A_436] : memref<10000x128xf32, #tpu.memory_space<hbm>> -> memref<10000x128xf32, #tpu.memory_space<hbm>>
        tpu.wait_indirect_dma semaphore(%arg12 : memref<!tpu.dma_semaphore, #tpu.memory_space<semaphore_mem>>) src(%dma_wait3A_437 : memref<10000x128xf32, #tpu.memory_space<hbm>>) dst(%run_scoped3A_11 : memref<80x128xf32, #tpu.memory_space<vmem>>)
        %dma_wait3A_438 = arith.constant 0 : i32
        %dma_wait3A_439 = arith.constant 0 : i32
        %dma_wait3A_440 = tpu.memref_slice %arg5[%dma_wait3A_438, %dma_wait3A_439] : memref<10240x128xf32, #tpu.memory_space<vmem_shared>> -> memref<10240x128xf32, #tpu.memory_space<vmem_shared>>
        tpu.wait_indirect_dma semaphore(%arg17 : memref<!tpu.dma_semaphore, #tpu.memory_space<semaphore_mem>>) src(%run_scoped3A_13 : memref<80x128xf32, #tpu.memory_space<vmem>>) dst(%dma_wait3A_440 : memref<10240x128xf32, #tpu.memory_space<vmem_shared>>)
        %dma_start3A_441 = arith.constant 0 : i32
        %dma_start3A_442 = arith.constant 0 : i32
        %dma_start3A_443 = tpu.memref_slice %arg5[%dma_start3A_441, %dma_start3A_442] : memref<10240x128xf32, #tpu.memory_space<vmem_shared>> -> memref<10240x128xf32, #tpu.memory_space<vmem_shared>>
        tpu.enqueue_indirect_dma source(%run_scoped3A_11 : memref<80x128xf32, #tpu.memory_space<vmem>>) target(%dma_start3A_443 : memref<10240x128xf32, #tpu.memory_space<vmem_shared>>) offsets(%run_scoped3A_8 : memref<80xi32, #tpu.memory_space<vmem>>) semaphore(%arg15 : memref<!tpu.dma_semaphore, #tpu.memory_space<semaphore_mem>>) {add = true}
        %dma_wait3A_444 = arith.constant 0 : i32
        %dma_wait3A_445 = tpu.memref_slice %arg2[%dma_wait3A_444] : memref<640000xi32, #tpu.memory_space<hbm>> -> memref<80xi32, #tpu.memory_space<hbm>>
        %dma_wait3A_446 = arith.constant 0 : i32
        %dma_wait3A_447 = tpu.memref_slice %arg2[%dma_wait3A_446] : memref<640000xi32, #tpu.memory_space<hbm>> -> memref<80xi32, #tpu.memory_space<hbm>>
        tpu.wait_dma2 semaphore(%arg11 : memref<!tpu.dma_semaphore, #tpu.memory_space<semaphore_mem>>) src(%dma_wait3A_447 : memref<80xi32, #tpu.memory_space<hbm>>) dst(%run_scoped3A_4 : memref<80xi32, #tpu.memory_space<vmem>>)
        %dma_wait3A_448 = arith.constant 0 : i32
        %dma_wait3A_449 = tpu.memref_slice %arg2[%dma_wait3A_448] : memref<640000xi32, #tpu.memory_space<hbm>> -> memref<80xi32, #tpu.memory_space<hbm>>
        %dma_wait3A_450 = arith.constant 0 : i32
        %dma_wait3A_451 = tpu.memref_slice %arg2[%dma_wait3A_450] : memref<640000xi32, #tpu.memory_space<hbm>> -> memref<80xi32, #tpu.memory_space<hbm>>
        tpu.wait_dma2 semaphore(%arg11 : memref<!tpu.dma_semaphore, #tpu.memory_space<semaphore_mem>>) src(%dma_wait3A_451 : memref<80xi32, #tpu.memory_space<hbm>>) dst(%run_scoped3A_10 : memref<80xi32, #tpu.memory_space<vmem>>)
        %dma_start3A_452 = arith.constant 0 : i32
        %dma_start3A_453 = arith.constant 0 : i32
        %dma_start3A_454 = tpu.memref_slice %arg3[%dma_start3A_452, %dma_start3A_453] : memref<10000x128xf32, #tpu.memory_space<hbm>> -> memref<10000x128xf32, #tpu.memory_space<hbm>>
        tpu.enqueue_indirect_dma source(%dma_start3A_454 : memref<10000x128xf32, #tpu.memory_space<hbm>>) target(%run_scoped3A_13 : memref<80x128xf32, #tpu.memory_space<vmem>>) offsets(%run_scoped3A_4 : memref<80xi32, #tpu.memory_space<vmem>>) semaphore(%arg14 : memref<!tpu.dma_semaphore, #tpu.memory_space<semaphore_mem>>)
        %add3A_455 = arith.constant 5 : i32
        %add3A_456 = arith.addi %add3A_279, %add3A_455 : i32
        %add3A_457 = arith.constant 3 : i32
        %add3A_458 = arith.addi %add3A_456, %add3A_457 : i32
        %min3A_459 = arith.constant 124 : i32
        %min3A_460 = arith.minsi %add3A_458, %min3A_459 : i32
        %mul3A_461 = arith.constant 80 : i32
        %mul3A_462 = arith.muli %min3A_460, %mul3A_461 : i32
        %add3A_463 = arith.addi %mul3A_16, %mul3A_462 : i32
        %dma_start3A_464 = tpu.memref_slice %arg2[%add3A_463] : memref<640000xi32, #tpu.memory_space<hbm>> -> memref<80xi32, #tpu.memory_space<hbm>>
        %dma_start3A_465 = tpu.memref_slice %arg2[%add3A_463] : memref<640000xi32, #tpu.memory_space<hbm>> -> memref<80xi32, #tpu.memory_space<hbm>>
        tpu.enqueue_dma source(%dma_start3A_465 : memref<80xi32, #tpu.memory_space<hbm>>) target(%run_scoped3A_0 : memref<80xi32, #tpu.memory_space<vmem>>) target_semaphore(%arg7 : memref<!tpu.dma_semaphore, #tpu.memory_space<semaphore_mem>>)
        %add3A_466 = arith.constant 320000 : i32
        %add3A_467 = arith.addi %add3A_466, %add3A_463 : i32
        %dma_start3A_468 = tpu.memref_slice %arg2[%add3A_467] : memref<640000xi32, #tpu.memory_space<hbm>> -> memref<80xi32, #tpu.memory_space<hbm>>
        %dma_start3A_469 = tpu.memref_slice %arg2[%add3A_467] : memref<640000xi32, #tpu.memory_space<hbm>> -> memref<80xi32, #tpu.memory_space<hbm>>
        tpu.enqueue_dma source(%dma_start3A_469 : memref<80xi32, #tpu.memory_space<hbm>>) target(%run_scoped3A_6 : memref<80xi32, #tpu.memory_space<vmem>>) target_semaphore(%arg7 : memref<!tpu.dma_semaphore, #tpu.memory_space<semaphore_mem>>)
        %dma_wait3A_470 = arith.constant 0 : i32
        %dma_wait3A_471 = arith.constant 0 : i32
        %dma_wait3A_472 = tpu.memref_slice %arg3[%dma_wait3A_470, %dma_wait3A_471] : memref<10000x128xf32, #tpu.memory_space<hbm>> -> memref<10000x128xf32, #tpu.memory_space<hbm>>
        tpu.wait_indirect_dma semaphore(%arg13 : memref<!tpu.dma_semaphore, #tpu.memory_space<semaphore_mem>>) src(%dma_wait3A_472 : memref<10000x128xf32, #tpu.memory_space<hbm>>) dst(%run_scoped3A_12 : memref<80x128xf32, #tpu.memory_space<vmem>>)
        %dma_wait3A_473 = arith.constant 0 : i32
        %dma_wait3A_474 = arith.constant 0 : i32
        %dma_wait3A_475 = tpu.memref_slice %arg5[%dma_wait3A_473, %dma_wait3A_474] : memref<10240x128xf32, #tpu.memory_space<vmem_shared>> -> memref<10240x128xf32, #tpu.memory_space<vmem_shared>>
        tpu.wait_indirect_dma semaphore(%arg15 : memref<!tpu.dma_semaphore, #tpu.memory_space<semaphore_mem>>) src(%run_scoped3A_11 : memref<80x128xf32, #tpu.memory_space<vmem>>) dst(%dma_wait3A_475 : memref<10240x128xf32, #tpu.memory_space<vmem_shared>>)
        %dma_start3A_476 = arith.constant 0 : i32
        %dma_start3A_477 = arith.constant 0 : i32
        %dma_start3A_478 = tpu.memref_slice %arg5[%dma_start3A_476, %dma_start3A_477] : memref<10240x128xf32, #tpu.memory_space<vmem_shared>> -> memref<10240x128xf32, #tpu.memory_space<vmem_shared>>
        tpu.enqueue_indirect_dma source(%run_scoped3A_12 : memref<80x128xf32, #tpu.memory_space<vmem>>) target(%dma_start3A_478 : memref<10240x128xf32, #tpu.memory_space<vmem_shared>>) offsets(%run_scoped3A_9 : memref<80xi32, #tpu.memory_space<vmem>>) semaphore(%arg16 : memref<!tpu.dma_semaphore, #tpu.memory_space<semaphore_mem>>) {add = true}
        %dma_wait3A_479 = arith.constant 0 : i32
        %dma_wait3A_480 = tpu.memref_slice %arg2[%dma_wait3A_479] : memref<640000xi32, #tpu.memory_space<hbm>> -> memref<80xi32, #tpu.memory_space<hbm>>
        %dma_wait3A_481 = arith.constant 0 : i32
        %dma_wait3A_482 = tpu.memref_slice %arg2[%dma_wait3A_481] : memref<640000xi32, #tpu.memory_space<hbm>> -> memref<80xi32, #tpu.memory_space<hbm>>
        tpu.wait_dma2 semaphore(%arg6 : memref<!tpu.dma_semaphore, #tpu.memory_space<semaphore_mem>>) src(%dma_wait3A_482 : memref<80xi32, #tpu.memory_space<hbm>>) dst(%run_scoped3A : memref<80xi32, #tpu.memory_space<vmem>>)
        %dma_wait3A_483 = arith.constant 0 : i32
        %dma_wait3A_484 = tpu.memref_slice %arg2[%dma_wait3A_483] : memref<640000xi32, #tpu.memory_space<hbm>> -> memref<80xi32, #tpu.memory_space<hbm>>
        %dma_wait3A_485 = arith.constant 0 : i32
        %dma_wait3A_486 = tpu.memref_slice %arg2[%dma_wait3A_485] : memref<640000xi32, #tpu.memory_space<hbm>> -> memref<80xi32, #tpu.memory_space<hbm>>
        tpu.wait_dma2 semaphore(%arg6 : memref<!tpu.dma_semaphore, #tpu.memory_space<semaphore_mem>>) src(%dma_wait3A_486 : memref<80xi32, #tpu.memory_space<hbm>>) dst(%run_scoped3A_5 : memref<80xi32, #tpu.memory_space<vmem>>)
        %dma_start3A_487 = arith.constant 0 : i32
        %dma_start3A_488 = arith.constant 0 : i32
        %dma_start3A_489 = tpu.memref_slice %arg3[%dma_start3A_487, %dma_start3A_488] : memref<10000x128xf32, #tpu.memory_space<hbm>> -> memref<10000x128xf32, #tpu.memory_space<hbm>>
        tpu.enqueue_indirect_dma source(%dma_start3A_489 : memref<10000x128xf32, #tpu.memory_space<hbm>>) target(%run_scoped3A_11 : memref<80x128xf32, #tpu.memory_space<vmem>>) offsets(%run_scoped3A : memref<80xi32, #tpu.memory_space<vmem>>) semaphore(%arg12 : memref<!tpu.dma_semaphore, #tpu.memory_space<semaphore_mem>>)
      }
      %scan3A_256 = arith.constant 20 : i32
      %dma_wait3A_257 = arith.constant 0 : i32
      %dma_wait3A_258 = arith.constant 0 : i32
      %dma_wait3A_259 = tpu.memref_slice %arg5[%dma_wait3A_257, %dma_wait3A_258] : memref<10240x128xf32, #tpu.memory_space<vmem_shared>> -> memref<10240x128xf32, #tpu.memory_space<vmem_shared>>
      tpu.wait_indirect_dma semaphore(%arg16 : memref<!tpu.dma_semaphore, #tpu.memory_space<semaphore_mem>>) src(%run_scoped3A_12 : memref<80x128xf32, #tpu.memory_space<vmem>>) dst(%dma_wait3A_259 : memref<10240x128xf32, #tpu.memory_space<vmem_shared>>)
      %dma_wait3A_260 = arith.constant 0 : i32
      %dma_wait3A_261 = arith.constant 0 : i32
      %dma_wait3A_262 = tpu.memref_slice %arg3[%dma_wait3A_260, %dma_wait3A_261] : memref<10000x128xf32, #tpu.memory_space<hbm>> -> memref<10000x128xf32, #tpu.memory_space<hbm>>
      tpu.wait_indirect_dma semaphore(%arg14 : memref<!tpu.dma_semaphore, #tpu.memory_space<semaphore_mem>>) src(%dma_wait3A_262 : memref<10000x128xf32, #tpu.memory_space<hbm>>) dst(%run_scoped3A_13 : memref<80x128xf32, #tpu.memory_space<vmem>>)
      %dma_wait3A_263 = arith.constant 0 : i32
      %dma_wait3A_264 = arith.constant 0 : i32
      %dma_wait3A_265 = tpu.memref_slice %arg3[%dma_wait3A_263, %dma_wait3A_264] : memref<10000x128xf32, #tpu.memory_space<hbm>> -> memref<10000x128xf32, #tpu.memory_space<hbm>>
      tpu.wait_indirect_dma semaphore(%arg12 : memref<!tpu.dma_semaphore, #tpu.memory_space<semaphore_mem>>) src(%dma_wait3A_265 : memref<10000x128xf32, #tpu.memory_space<hbm>>) dst(%run_scoped3A_11 : memref<80x128xf32, #tpu.memory_space<vmem>>)
      %dma_wait3A_266 = arith.constant 0 : i32
      %dma_wait3A_267 = tpu.memref_slice %arg2[%dma_wait3A_266] : memref<640000xi32, #tpu.memory_space<hbm>> -> memref<80xi32, #tpu.memory_space<hbm>>
      %dma_wait3A_268 = arith.constant 0 : i32
      %dma_wait3A_269 = tpu.memref_slice %arg2[%dma_wait3A_268] : memref<640000xi32, #tpu.memory_space<hbm>> -> memref<80xi32, #tpu.memory_space<hbm>>
      tpu.wait_dma2 semaphore(%arg7 : memref<!tpu.dma_semaphore, #tpu.memory_space<semaphore_mem>>) src(%dma_wait3A_269 : memref<80xi32, #tpu.memory_space<hbm>>) dst(%run_scoped3A_0 : memref<80xi32, #tpu.memory_space<vmem>>)
      %dma_wait3A_270 = arith.constant 0 : i32
      %dma_wait3A_271 = tpu.memref_slice %arg2[%dma_wait3A_270] : memref<640000xi32, #tpu.memory_space<hbm>> -> memref<80xi32, #tpu.memory_space<hbm>>
      %dma_wait3A_272 = arith.constant 0 : i32
      %dma_wait3A_273 = tpu.memref_slice %arg2[%dma_wait3A_272] : memref<640000xi32, #tpu.memory_space<hbm>> -> memref<80xi32, #tpu.memory_space<hbm>>
      tpu.wait_dma2 semaphore(%arg7 : memref<!tpu.dma_semaphore, #tpu.memory_space<semaphore_mem>>) src(%dma_wait3A_273 : memref<80xi32, #tpu.memory_space<hbm>>) dst(%run_scoped3A_6 : memref<80xi32, #tpu.memory_space<vmem>>)
      %barrier3A_274 = arith.constant 0 : index
      tpu.barrier barrier_id(%barrier3A_274)
      "tpu.region"() ({
        %run_scoped3A_275 = tpu.sem_alloc : memref<!tpu.dma_semaphore, #tpu.memory_space<semaphore_mem>>
        %dma_start3A_276 = arith.constant 0 : i32
        %dma_start3A_277 = tpu.memref_slice %arg4[%arg0, %mul3A_47, %dma_start3A_276] : memref<2x10240x128xf32, #tpu.memory_space<hbm>> -> memref<1x640x128xf32, #tpu.memory_space<hbm>>
        %dma_start3A_278 = tpu.memref_squeeze %dma_start3A_277 : memref<1x640x128xf32, #tpu.memory_space<hbm>> -> memref<640x128xf32, #tpu.memory_space<hbm>>
        %dma_start3A_279 = arith.constant 0 : i32
        %dma_start3A_280 = tpu.memref_slice %arg5[%mul3A_47, %dma_start3A_279] : memref<10240x128xf32, #tpu.memory_space<vmem_shared>> -> memref<640x128xf32, #tpu.memory_space<vmem_shared>>
        tpu.enqueue_dma source(%dma_start3A_280 : memref<640x128xf32, #tpu.memory_space<vmem_shared>>) target(%dma_start3A_278 : memref<640x128xf32, #tpu.memory_space<hbm>>) target_semaphore(%run_scoped3A_275 : memref<!tpu.dma_semaphore, #tpu.memory_space<semaphore_mem>>)
        %dma_wait3A_281 = arith.constant 0 : i32
        %dma_wait3A_282 = tpu.memref_slice %arg4[%arg0, %mul3A_47, %dma_wait3A_281] : memref<2x10240x128xf32, #tpu.memory_space<hbm>> -> memref<1x640x128xf32, #tpu.memory_space<hbm>>
        %dma_wait3A_283 = tpu.memref_squeeze %dma_wait3A_282 : memref<1x640x128xf32, #tpu.memory_space<hbm>> -> memref<640x128xf32, #tpu.memory_space<hbm>>
        %dma_wait3A_284 = arith.constant 0 : i32
        %dma_wait3A_285 = tpu.memref_slice %arg5[%mul3A_47, %dma_wait3A_284] : memref<10240x128xf32, #tpu.memory_space<vmem_shared>> -> memref<640x128xf32, #tpu.memory_space<vmem_shared>>
        tpu.wait_dma2 semaphore(%run_scoped3A_275 : memref<!tpu.dma_semaphore, #tpu.memory_space<semaphore_mem>>) src(%dma_wait3A_285 : memref<640x128xf32, #tpu.memory_space<vmem_shared>>) dst(%dma_wait3A_283 : memref<640x128xf32, #tpu.memory_space<hbm>>)
        tpu.yield
      }) : () -> ()
      tpu.yield
    }) : () -> ()
    return
  }
}

</mosaic_0001>

<sc_bundles>
// kernel: _aggregate.3.cloned.1.call-start
scs
__scs_entry_jumppad:
0x0: {  	(pc) =	sbr.rel $0x88, $3  }
0x1: {  	(tag) =	ssettag $0x0;
	lr =	simm.s32 $0x1  }
0x2: {  	[smem:$0x3F9F] =	sst lr;
	_ =	strace $0xD0000000  }
0x3: {  	_ = 	snop  }
0x4: {  	_ = 	snop  }
0x5: {  	_ = 	snop  }
0x6: {  	_ = 	snop  }
0x7: {  	_ = 	snop  }
__scs_overlays_trampoline_lowered:
0x8: {  	[smem:$0x3FAE] =	sst s0  }
0x9: {  	[smem:$0x3FAF] =	sst s1  }
0xa: {  	[smem:$0x3FB0] =	sst s2  }
0xb: {  	[smem:$0x3FB1] =	sst s3  }
0xc: {  	[smem:$0x3FB2] =	sst s4  }
0xd: {  	[smem:$0x3FB3] =	sst s5  }
0xe: {  	[smem:$0x3FB4] =	sst s6  }
0xf: {  	[smem:$0x3FB5] =	sst s7  }
0x10: {  	[smem:$0x3FB6] =	sst s8  }
0x11: {  	[smem:$0x3FB7] =	sst s9;
	s0 =	simm.s32 @!p0 $0x0  }
0x12: {  	s1 =	sld [smem:$0x3F9D];
	s0 =	simm.s32 @p0 $0x1  }
0x13: {  	[smem:$0x3FB8] =	sst s0;
	s0 =	simm.s32 @!p1 $0x0  }
0x14: {  	s2 =	sld [smem:$0x3F9C];
	s0 =	simm.s32 @p1 $0x1  }
0x15: {  	[smem:$0x3FB9] =	sst s0;
	s0 =	simm.s32 @!p2 $0x0  }
0x16: {  	s3 =	sld [smem:$0x3FDB];
	s0 =	simm.s32 @p2 $0x1  }
0x17: {  	s4 =	simm.s32 $0x1BF5;
	[smem:$0x3FBB] =	sst s0  }
0x18: {  	s0 =	sld [smem:$0x3F9E];
	_ =	swait.ge [sflag:s4], $0x0  }
0x19: {  	s7 =	sld [smem:$0x3F9F]  }
0x1a: {  	s8 =	sadd.s32 $0xFFFFE003, lr  }
0x1b: {  	s9 =	sadd.s32 $0xFFFFFEF7, lr;
	s5 =	simm.s32 $0xFFFFFFFF;
	p2 =	slt.u32 s8, $0xFFFFF086  }
0x1c: {  	p1 =	slt.u32 s9, $0xF7A;
	s5 =	simm.s32 @!p2 $0x0  }
0x1d: {  	s5 =	simm.s32 @p1 $0x1;
	p0 =	seq.s32 s7, s2  }
0x1e: {  	s7 =	smul.u32 @!p0 $0xF7A, s2;
	p2 =	seq.s32 @!p0 s5, $0x0  }
0x1f: {  	s9 =	smul.u32 $0xF7A, s1;
	s8 =	simm.s32 @!p0 $0x1BF5;
	p2 =	por !p2, p0  }
0x20: {  	[sflag:s8] =	ssyncset.s32 @!p0 $0xFFFFF086;
	s6 =	sadd.s32 @!p0 s3, s7;
	s7 =	simm.s32 @!p0 $0x108  }
0x21: {  	s3 =	sadd.s32 s3, s9;
	s6 =	sadd.s32 @!p0 $0x88, s6;
	s7 =	simm.s32 @p2 $0x1082  }
0x22: {  	[simem:s7], [sflag:s8] =	dma.local @!p0 [hbm:s6], $0xF7A  }
0x23: {  	s9 =	sor.u32 $0xD0000000, s2;
	s6 =	simm.s32 $0x108;
	_ =	swait.ge @!p0 [sflag:s8], $0x0  }
0x24: {  	s3 =	sadd.s32 $0x88, s3;
	s6 =	simm.s32 @!p1 $0x1082;
	[sflag:s4] =	ssyncset.s32 $0xFFFFF086  }
0x25: {  	[simem:s6], [sflag:s4] =	dma.local [hbm:s3], $0xF7A  }
0x26: {  	[smem:$0x3F9F] =	sst s1;
	(tag) =	ssettag s2;
	_ =	strace s9  }
0x27: {  	s1 =	sld [smem:$0x3FAF]  }
0x28: {  	s2 =	sld [smem:$0x3FB0]  }
0x29: {  	s4 =	sld [smem:$0x3FB2]  }
0x2a: {  	p0 =	seq.s32 s5, $0x0;
	s5 =	sld [smem:$0x3FB3]  }
0x2b: {  	s6 =	sld [smem:$0x3FB4]  }
0x2c: {  	s7 =	sld [smem:$0x3FB5]  }
0x2d: {  	s3 =	simm.s32 $0x108;
	s8 =	sld [smem:$0x3FB6]  }
0x2e: {  	s3 =	simm.s32 @!p0 $0x1082;
	s9 =	sld [smem:$0x3FB7]  }
0x2f: {  	lr =	sadd.s32 s0, s3;
	s0 =	sld [smem:$0x3FAE]  }
0x30: {  	s3 =	sld [smem:$0x3FB1]  }
0x31: {  	[smem:$0x3FBA] =	sst s10  }
0x32: {  	s10 =	sld [smem:$0x3FB8];
	_ =	sdelay $0x3  }
0x33: {  	p0 =	seq.s32 s10, $0x1;
	s10 =	sld [smem:$0x3FBA];
	_ =	sdelay $0x3  }
0x34: {  	[smem:$0x3FBA] =	sst s10  }
0x35: {  	s10 =	sld [smem:$0x3FB9];
	_ =	sdelay $0x3  }
0x36: {  	p1 =	seq.s32 s10, $0x1;
	s10 =	sld [smem:$0x3FBA];
	_ =	sdelay $0x3  }
0x37: {  	[smem:$0x3FBA] =	sst s10  }
0x38: {  	s10 =	sld [smem:$0x3FBB]  }
0x39: {  	_ = 	snop;
	(pc) =	sbr.ind lr, $3  }
0x3a: {  	_ = 	snop  }
0x3b: {  	_ = 	snop  }
0x3c: {  	p2 =	seq.s32 s10, $0x1;
	s10 =	sld [smem:$0x3FBA]  }
0x3d: {  	_ =	shalt  }
0x3e: {  	_ =	shalt  }
0x3f: {  	_ =	shalt  }
0x40: {  	_ =	shalt  }
0x41: {  	_ =	shalt  }
0x42: {  	_ =	shalt  }
0x43: {  	_ =	shalt  }
0x44: {  	_ =	shalt  }
0x45: {  	_ =	shalt  }
0x46: {  	_ =	shalt  }
0x47: {  	_ =	shalt  }
0x48: {  	_ =	shalt  }
0x49: {  	_ =	shalt  }
0x4a: {  	_ =	shalt  }
0x4b: {  	_ =	shalt  }
0x4c: {  	_ =	shalt  }
0x4d: {  	_ =	shalt  }
0x4e: {  	_ =	shalt  }
0x4f: {  	_ =	shalt  }
0x50: {  	_ =	shalt  }
0x51: {  	_ =	shalt  }
0x52: {  	_ =	shalt  }
0x53: {  	_ =	shalt  }
0x54: {  	_ =	shalt  }
0x55: {  	_ =	shalt  }
0x56: {  	_ =	shalt  }
0x57: {  	_ =	shalt  }
0x58: {  	_ =	shalt  }
0x59: {  	_ =	shalt  }
0x5a: {  	_ =	shalt  }
0x5b: {  	_ =	shalt  }
0x5c: {  	_ =	shalt  }
0x5d: {  	_ =	shalt  }
0x5e: {  	_ =	shalt  }
0x5f: {  	_ =	shalt  }
0x60: {  	_ =	shalt  }
0x61: {  	_ =	shalt  }
0x62: {  	_ =	shalt  }
0x63: {  	_ =	shalt  }
0x64: {  	_ =	shalt  }
0x65: {  	_ =	shalt  }
0x66: {  	_ =	shalt  }
0x67: {  	_ =	shalt  }
0x68: {  	_ =	shalt  }
0x69: {  	_ =	shalt  }
0x6a: {  	_ =	shalt  }
0x6b: {  	_ =	shalt  }
0x6c: {  	_ =	shalt  }
0x6d: {  	_ =	shalt  }
0x6e: {  	_ =	shalt  }
0x6f: {  	_ =	shalt  }
0x70: {  	_ =	shalt  }
0x71: {  	_ =	shalt  }
0x72: {  	_ =	shalt  }
0x73: {  	_ =	shalt  }
0x74: {  	_ =	shalt  }
0x75: {  	_ =	shalt  }
0x76: {  	_ =	shalt  }
0x77: {  	_ =	shalt  }
0x78: {  	_ =	shalt  }
0x79: {  	_ =	shalt  }
0x7a: {  	_ =	shalt  }
0x7b: {  	_ =	shalt  }
0x7c: {  	_ =	shalt  }
0x7d: {  	_ =	shalt  }
0x7e: {  	_ =	shalt  }
0x7f: {  	_ =	shalt  }
0x80: {  	_ =	shalt  }
0x81: {  	_ =	shalt  }
0x82: {  	_ =	shalt  }
0x83: {  	_ =	shalt  }
0x84: {  	_ =	shalt  }
0x85: {  	_ =	shalt  }
0x86: {  	_ =	shalt  }
0x87: {  	_ =	shalt  }
.Lfunc_end0:
.L_simem_size_0:
called_computation_lowered:
.L_overlay_start_0:
0x88: {  	s2 =	sld [smem:$0x3FD9]  }
0x89: {  	s3 =	sld [smem:$0x3FFE];
	_ =	sdelay $0x1  }
0x8a: {  	s1 =	srdreg.scid  }
0x8b: {  	s0 =	sand.u32 $0x1, s1  }
0x8c: {  	s18 =	sshll.u32 s0, $0xA;
	s2 =	sadd.s32 s3, s2  }
0x8d: {  	s2 =	sadd.s32 s2, s18  }
0x8e: {  	[smem:$0x3FC6] =	sst s2  }
0x8f: {  	_ = 	snop  }
0x90: {  	s2 =	sld [smem:$0x3FC9]  }
0x91: {  	s19 =	sld [smem:$0x3FC8]  }
0x92: {  	s4 =	sld [smem:$0x3FD0];
	(tm) =	ssettm $0x1  }
0x93: {  	s5 =	sld [smem:$0x3FFB];
	_ =	sdelay $0x3  }
0x94: {  	_ =	strace s5  }
0x95: {  	s5 =	sld [smem:$0x3FFC];
	_ =	sdelay $0x3  }
0x96: {  	_ =	strace s5  }
0x97: {  	s5 =	sld [smem:$0x3FFD];
	_ =	sdelay $0x3  }
0x98: {  	_ =	strace s5  }
0x99: {  	_ =	strace $0x8FFFFFFF  }
0x9a: {  	s20 =	sld [smem:$0x3FDB];
	_ =	sdelay $0x1  }
0x9b: {  	s6 =	simm.s32 $_scs_section_size  }
0x9c: {  	s7 =	simm.s32 $_size__tile_overlayer_lowered;
	s8 =	simm.s32 $_tile_overlayer_lowered  }
0x9d: {  	s23 =	simm.s32 $0x1BFF;
	s22 =	sshll.u32 s8, $0x1;
	s5 =	sadd.s32 s6, s20  }
0x9e: {  	s9 =	simm.s32 $0x0;
	s21 =	sshll.u32 s7, $0x1;
	s7 =	sadd.s32 s22, s5  }
0x9f: {  	[timem:s9], [sflag:s23] =	dma.local [hbm:s7], s21  }
0xa0: {  	_ =	swait.ge [sflag:s23], s21  }
0xa1: {  	s6 =	ssub.s32 $0x0, s21;
	[sflag:s23] =	ssyncset.done $0x0  }
0xa2: {  	[sflag:s23] =	ssyncadd.s32 s6;
	_ =	sdelay $0x1  }
0xa3: {  	s24 =	simm.s32 $0x1B8B  }
0xa4: {  	_ =	swait.ge [sflag:s24], $0x1  }
0xa5: {  	[sflag:s24] =	ssyncset.done $0x0  }
0xa6: {  	s25 =	simm.s32 $0x1B8E;
	[sflag:s24] =	ssyncadd.s32 $0xFFFFFFFF  }
0xa7: {  	s26 =	simm.s32 $execute0_lowered;
	[smem:$0x3FD2] =	sst s25  }
0xa8: {  	s6 =	sshll.u32 s26, $0x1;
	_ =	strace $0x80000046;
	[dreg:$0x1] =	wrdreg $0xFFFFFFFF  }
0xa9: {  	s28 =	simm.s32 $_size_execute0_lowered;
	s5 =	sadd.s32 s5, s6;
	[dreg:$0x0] =	wrdreg $0x0  }
0xaa: {  	s6 =	sshll.u32 s28, $0x1;
	[dreg:$0x2] =	wrdreg s5  }
0xab: {  	[dreg:$0x3] =	wrdreg s6  }
0xac: {  	[dreg:$0x4] =	wrdreg $0xC0  }
0xad: {  	_ =	task [dreg:s9], $0x5FFFF  }
0xae: {  	[dreg:$0x1] =	wrdreg $0xFFFFFFFF  }
0xaf: {  	[dreg:$0x0] =	wrdreg $0x60  }
0xb0: {  	[dreg:$0x2] =	wrdreg s2  }
0xb1: {  	[dreg:$0x3] =	wrdreg s19  }
0xb2: {  	[dreg:$0x4] =	wrdreg s4  }
0xb3: {  	[dreg:$0x5] =	wrdreg $0x0  }
0xb4: {  	[dreg:$0x6] =	wrdreg $0x9  }
0xb5: {  	_ =	task.clear_ibuf [dreg:s9], $0x7FFFF;
	_ =	strace $0x90000046  }
0xb6: {  	s29 =	simm.s32 $0x9;
	_ =	strace $0x80000048  }
0xb7: {  	_ =	swait.ge [sflag:s29], $0x1  }
0xb8: {  	[sflag:s29] =	ssyncadd.s32 $0xFFFFFFFF  }
0xb9: {  	_ =	strace $0x90000048  }
0xba: {  	_ =	sfence  }
0xbb: {  	s30 =	sld [smem:$0x0];
	_ =	sdelay $0x2  }
0xbc: {  	s31 =	sshll.u32 s1, $0xD;
	s1 =	sshrl.u32 s1, $0x2  }
0xbd: {  	s3 =	sand.u32 $0x4000, s31;
	s1 =	sadd.s32 s1, s30  }
0xbe: {  	s0 =	sor.u32 s3, s0;
	s1 =	sshll.u32 s1, $0x11  }
0xbf: {  	s0 =	sor.u32 s1, s0  }
0xc0: {  	s0 =	sadd.s32 $0x8F2B, s0  }
0xc1: {  	[sflag:s0] =	ssyncadd.remote.s32 $0x1  }
0xc2: {  	_ =	sfence.sel $0xFFFF  }
0xc3: {  	[dreg:$0x0] =	wrdreg $0xFFFFFFFF;
	(pc) =	sbr.abs _section_cstart, $3  }
0xc4: {  	[dreg:$0x1] =	wrdreg $0xFFFFFFFF  }
0xc5: {  	_ =	task.clear_ibuf [dreg:s9], $0x2FFFF;
	_ =	strace $0x9FFFFFFF  }
0xc6: {  	(tm) =	ssettm $0x7FFFFFFF  }
0xc7: {  	_ =	shalt  }
tec
execute0_lowered:
.L_overlay_start_1:
0x0: {  	(tag) =	ssettag $0x1  }
0x1: {  	s21 =	rddreg [dreg:$0x0]  }
0x2: {  	s1 =	srdreg.scid;
	s11 =	stileid.u32  }
0x3: {  	s3 =	rddreg [dreg:$0x2];
	s1 =	sand.u32 $0x1, s1;
	s10 =	smul.u32 $0x50000, s11  }
0x4: {  	s16 =	rddreg [dreg:$0x3];
	s5 =	sshll.u32 s1, $0x4  }
0x5: {  	s6 =	sor.u32 s11, s5;
	s5 =	simm.s32 $0x0;
	s2 =	sshrl.u32 s10, $0x2  }
0x6: {  	[smem:$0x7FF] =	sst s5;
	s20 =	sadd.s32 s2, s16  }
0x7: {  	_ =	strace $0x80000047;
	s13 =	sadd.s32 $0x2800, s20;
	[dreg:$0x13] =	wrdreg s20  }
0x8: {  	s14 =	sadd.s32 $0x5000, s20;
	[dreg:$0x15] =	wrdreg s13  }
0x9: {  	s15 =	sadd.s32 $0x7800, s20;
	[dreg:$0x16] =	wrdreg s14  }
0xa: {  	s17 =	sadd.s32 $0xA000, s20;
	[dreg:$0x17] =	wrdreg s15  }
0xb: {  	s6 =	smul.u32 $0x2710, s6;
	s19 =	sadd.s32 $0xC800, s20;
	[dreg:$0x18] =	wrdreg s17  }
0xc: {  	s26 =	sadd.s32 $0x11800, s20;
	[dreg:$0x19] =	wrdreg s19  }
0xd: {  	s7 =	ssub.s32 $0x2, s1;
	s22 =	sadd.s32 $0x370, s6;
	[dreg:$0x1b] =	wrdreg s26  }
0xe: {  	s8 =	sshrl.u32 s7, $0x1;
	s13 =	sadd.s32 $0xF000, s20;
	[dreg:$0x5] =	wrdreg s22  }
0xf: {  	s7 =	ssub.s32 s7, s8;
	s23 =	sadd.s32 $0x3C0, s6;
	[dreg:$0x1a] =	wrdreg s13  }
0x10: {  	s9 =	sshrl.u32 s6, $0x3;
	s6 =	sadd.s32 $0x410, s6;
	[dreg:$0x6] =	wrdreg s23  }
0x11: {  	[dreg:$0x7] =	wrdreg s6;
	s22 =	smax.u32 s7, $0x1  }
0x12: {  	s12 =	sadd.s32 s21, s9;
	[smem:$0x7F7] =	sst s22  }
0x13: {  	s25 =	smul.u32 $0x14000, s11;
	s29 =	sadd.s32 $0x9C40, s12;
	[dreg:$0xe] =	wrdreg s12  }
0x14: {  	s18 =	smul.u32 $0x140000, s1;
	s0 =	sadd.s32 $0xA, s12;
	[dreg:$0xf] =	wrdreg s29  }
0x15: {  	s9 =	sadd.s32 $0x9C4A, s12;
	[dreg:$0x10] =	wrdreg s0  }
0x16: {  	s28 =	sadd.s32 s25, s18;
	s4 =	sadd.s32 $0x14, s12;
	[dreg:$0x11] =	wrdreg s9  }
0x17: {  	s6 =	sshrl.u32 s28, $0x3;
	s10 =	sadd.s32 $0x9C54, s12;
	[dreg:$0x12] =	wrdreg s4  }
0x18: {  	s30 =	simm.s32 $0x14080;
	s3 =	sadd.s32 s3, s6;
	[dreg:$0x14] =	wrdreg s10  }
0x19: {  	s24 =	smul.u32 $0x2710, s11;
	s11 =	sadd.s32 $0x1E, s12;
	[dreg:$0x1c] =	wrdreg s3  }
0x1a: {  	s1 =	smul.u32 $0x27100, s1;
	s17 =	sadd.s32 $0x9C5E, s12;
	[dreg:$0x1d] =	wrdreg s11  }
0x1b: {  	s31 =	simm.s32 $0x14180;
	s18 =	sadd.s32 $0x28, s12;
	[dreg:$0x1e] =	wrdreg s17  }
0x1c: {  	s1 =	sadd.s32 s24, s1;
	s19 =	sadd.s32 $0x9C68, s12;
	[dreg:$0x1f] =	wrdreg s18  }
0x1d: {  	s14 =	sadd.s32 $0x280, s1;
	s23 =	sadd.s32 $0x32, s12;
	[smem:$0x7F6] =	sst s19  }
0x1e: {  	s15 =	sshrl.u32 s14, $0x3;
	s24 =	sadd.s32 $0x9C72, s12;
	[smem:$0x7F8] =	sst s23  }
0x1f: {  	s14 =	simm.s32 $0x50;
	s25 =	sadd.s32 $0x3C, s12;
	[smem:$0x7F9] =	sst s24  }
0x20: {  	s26 =	sadd.s32 $0x9C7C, s12;
	s28 =	sadd.s32 $0x46, s12;
	[smem:$0x7FA] =	sst s25  }
0x21: {  	s29 =	sadd.s32 $0x320, s1;
	s0 =	sadd.s32 $0x4E520, s1;
	[smem:$0x7FB] =	sst s26  }
0x22: {  	s10 =	sadd.s32 $0x4E4D0, s1;
	[smem:$0x7FC] =	sst s28;
	s24 =	simm.s32 $0x14380  }
0x23: {  	s25 =	simm.s32 $0x14100;
	s17 =	simm.s32 $0x16E00;
	s18 =	simm.s32 $0x19600  }
0x24: {  	s8 =	sshrl.u32 s29, $0x3;
	s4 =	sshrl.u32 s0, $0x3;
	s29 =	sadd.s32 $0x9C86, s12  }
0x25: {  	s12 =	simm.s32 $0x14300;
	s2 =	sadd.s32 s8, s21;
	[smem:$0x7FD] =	sst s29  }
0x26: {  	s0 =	simm.s32 $0x14400;
	s6 =	sadd.s32 s4, s21;
	[dreg:$0x8] =	wrdreg s2  }
0x27: {  	s8 =	sadd.s32 $0x2D0, s1;
	s1 =	sadd.s32 $0x4E480, s1;
	[dreg:$0x9] =	wrdreg s6  }
0x28: {  	s9 =	sshrl.u32 s8, $0x3;
	s6 =	sshrl.u32 s10, $0x3;
	s1 =	sshrl.u32 s1, $0x3  }
0x29: {  	s10 =	simm.s32 $0x14000;
	s2 =	simm.s32 $0x1;
	s3 =	sadd.s32 s9, s21  }
0x2a: {  	s8 =	simm.s32 $0x0;
	s13 =	sadd.s32 s6, s21;
	[dreg:$0xa] =	wrdreg s3  }
0x2b: {  	s1 =	sadd.s32 s1, s21;
	s9 =	simm.s32 $0xD;
	[dreg:$0xb] =	wrdreg s13  }
0x2c: {  	s3 =	sadd.s32 s15, s21;
	[dreg:$0xd] =	wrdreg s1;
	s15 =	simm.s32 $0x14600  }
0x2d: {  	v0 =	vimm.f32 $0.0e+00;
	s13 =	simm.s32 $0x2;
	[dreg:$0xc] =	wrdreg s3;
	s3 =	simm.s32 $0x4  }
.LBB2_1:
0x2e: {  	[smem:$0x7F5] =	sst s8  }
0x2f: {  	s7 =	rddreg [dreg:$0xe]  }
0x30: {  	[tilespmem:s10], [sflag:$0x1] =	stream.linear.gather [hbm4b:s7+s5], $0x50, $0x38;
	[tilespmem:$0x1BE00] =	vst v63  }
0x31: {  	s22 =	rddreg [dreg:$0xf]  }
0x32: {  	[tilespmem:s12], [sflag:$0x1] =	stream.linear.gather [hbm4b:s22+s5], $0x50, $0x38;
	[tilespmem:$0x1BE00] =	vst v63  }
0x33: {  	s23 =	rddreg [dreg:$0x10]  }
0x34: {  	[tilespmem:s30], [sflag:$0x2] =	stream.linear.gather [hbm4b:s23+s5], $0x50, $0x38;
	[tilespmem:$0x1BE00] =	vst v63  }
0x35: {  	s26 =	rddreg [dreg:$0x11]  }
0x36: {  	[tilespmem:s24], [sflag:$0x2] =	stream.linear.gather [hbm4b:s26+s5], $0x50, $0x38;
	[tilespmem:$0x1BE00] =	vst v63  }
0x37: {  	s28 =	rddreg [dreg:$0x12]  }
0x38: {  	[tilespmem:s25], [sflag:$0x3] =	stream.linear.gather [hbm4b:s28+s5], $0x50, $0x38;
	[tilespmem:$0x1BE00] =	vst v63  }
0x39: {  	s29 =	rddreg [dreg:$0x14];
	s8 =	simm.s32 $0x200;
	s7 =	simm.s32 $0x0  }
0x3a: {  	[tilespmem:s0], [sflag:$0x3] =	stream.linear.gather [hbm4b:s29+s5], $0x50, $0x38;
	[tilespmem:$0x1BE00] =	vst v63  }
.LBB2_2:
0x3b: {  	p0 =	sne.s32 s8, $0x9E00;
	[tilespmem:s7+$0x19670] =	vst v0  }
0x3c: {  	[tilespmem:s7+$0x19600] =	vst v0  }
0x3d: {  	[tilespmem:s7+$0x19610] =	vst v0  }
.Ltmp0:
0x3e: {  	[tilespmem:s7+$0x19620] =	vst v0;
	(pc) =	sbr.rel @p0 .LBB2_2-.Ltmp0, $4  }
0x3f: {  	[tilespmem:s7+$0x19630] =	vst v0  }
0x40: {  	[tilespmem:s7+$0x19640] =	vst v0  }
0x41: {  	[tilespmem:s7+$0x19650] =	vst v0  }
0x42: {  	[tilespmem:s7+$0x19660] =	vst v0;
	s7 =	sshra.s32 s8, $0x2;
	s8 =	sadd.s32 $0x200, s8  }
0x43: {  	[tilespmem:s7+$0x19670] =	vst v0  }
0x44: {  	[tilespmem:s7+$0x19600] =	vst v0  }
0x45: {  	[tilespmem:s7+$0x19610] =	vst v0  }
0x46: {  	[tilespmem:s7+$0x19620] =	vst v0  }
0x47: {  	[tilespmem:s7+$0x19630] =	vst v0  }
0x48: {  	[tilespmem:s7+$0x19640] =	vst v0  }
0x49: {  	[tilespmem:s7+$0x19650] =	vst v0  }
0x4a: {  	[tilespmem:s7+$0x19660] =	vst v0  }
0x4b: {  	_ =	swait.ge [sflag:s2], $0x50  }
0x4c: {  	[sflag:s2] =	ssyncset.done $0x0  }
0x4d: {  	[sflag:s2] =	ssyncadd.s32 $0xFFFFFFB0  }
0x4e: {  	_ =	swait.ge [sflag:s2], $0x50  }
0x4f: {  	[sflag:s2] =	ssyncset.done $0x0  }
0x50: {  	[sflag:s2] =	ssyncadd.s32 $0xFFFFFFB0  }
0x51: {  	s2 =	rddreg [dreg:$0x1]  }
0x52: {  	[tilespmem:s15], [sflag:$0x7] =	stream.indirect.gather [hbm4b:s2+s14], $0x80, s10, s14, $0xb8;
	[tilespmem:$0x1BE00] =	vst v63  }
0x53: {  	_ =	swait.ge [sflag:s13], $0x50  }
0x54: {  	[sflag:s13] =	ssyncset.done $0x0  }
0x55: {  	[sflag:s13] =	ssyncadd.s32 $0xFFFFFFB0  }
0x56: {  	_ =	swait.ge [sflag:s13], $0x50  }
0x57: {  	[sflag:s13] =	ssyncset.done $0x0  }
0x58: {  	[sflag:s13] =	ssyncadd.s32 $0xFFFFFFB0  }
0x59: {  	[tilespmem:s17], [sflag:$0x8] =	stream.indirect.gather [hbm4b:s2+s14], $0x80, s30, s14, $0xb8;
	[tilespmem:$0x1BE00] =	vst v63  }
0x5a: {  	_ = 	snop  }
0x5b: {  	[spmem:s20] =	stream.linear.scatter [tilespmem:s18], [sflag:$0xD], $0x2800, $0x38;
	[tilespmem:$0x1BE00] =	vst v63  }
0x5c: {  	_ =	swait.ge [sflag:s9], $0x2800  }
0x5d: {  	[sflag:s9] =	ssyncset.done $0x0  }
0x5e: {  	s26 =	rddreg [dreg:$0x15];
	[sflag:s9] =	ssyncadd.s32 $0xFFFFD800  }
0x5f: {  	[spmem:s26] =	stream.linear.scatter [tilespmem:s18], [sflag:$0xD], $0x2800, $0x38;
	[tilespmem:$0x1BE00] =	vst v63  }
0x60: {  	_ =	swait.ge [sflag:s9], $0x2800  }
0x61: {  	[sflag:s9] =	ssyncset.done $0x0  }
0x62: {  	s28 =	rddreg [dreg:$0x16];
	[sflag:s9] =	ssyncadd.s32 $0xFFFFD800  }
0x63: {  	[spmem:s28] =	stream.linear.scatter [tilespmem:s18], [sflag:$0xD], $0x2800, $0x38;
	[tilespmem:$0x1BE00] =	vst v63  }
0x64: {  	_ =	swait.ge [sflag:s9], $0x2800  }
0x65: {  	[sflag:s9] =	ssyncset.done $0x0  }
0x66: {  	s29 =	rddreg [dreg:$0x17];
	[sflag:s9] =	ssyncadd.s32 $0xFFFFD800  }
0x67: {  	[spmem:s29] =	stream.linear.scatter [tilespmem:s18], [sflag:$0xD], $0x2800, $0x38;
	[tilespmem:$0x1BE00] =	vst v63  }
0x68: {  	_ =	swait.ge [sflag:s9], $0x2800  }
0x69: {  	[sflag:s9] =	ssyncset.done $0x0  }
0x6a: {  	s1 =	rddreg [dreg:$0x18];
	[sflag:s9] =	ssyncadd.s32 $0xFFFFD800  }
0x6b: {  	[spmem:s1] =	stream.linear.scatter [tilespmem:s18], [sflag:$0xD], $0x2800, $0x38;
	[tilespmem:$0x1BE00] =	vst v63  }
0x6c: {  	_ =	swait.ge [sflag:s9], $0x2800  }
0x6d: {  	[sflag:s9] =	ssyncset.done $0x0  }
0x6e: {  	s6 =	rddreg [dreg:$0x19];
	[sflag:s9] =	ssyncadd.s32 $0xFFFFD800  }
0x6f: {  	[spmem:s6] =	stream.linear.scatter [tilespmem:s18], [sflag:$0xD], $0x2800, $0x38;
	[tilespmem:$0x1BE00] =	vst v63  }
0x70: {  	_ =	swait.ge [sflag:s9], $0x2800  }
0x71: {  	[sflag:s9] =	ssyncset.done $0x0  }
0x72: {  	s8 =	rddreg [dreg:$0x1a];
	[sflag:s9] =	ssyncadd.s32 $0xFFFFD800  }
0x73: {  	[spmem:s8] =	stream.linear.scatter [tilespmem:s18], [sflag:$0xD], $0x2800, $0x38;
	[tilespmem:$0x1BE00] =	vst v63  }
0x74: {  	_ =	swait.ge [sflag:s9], $0x2800  }
0x75: {  	[sflag:s9] =	ssyncset.done $0x0  }
0x76: {  	s11 =	rddreg [dreg:$0x1b];
	[sflag:s9] =	ssyncadd.s32 $0xFFFFD800  }
0x77: {  	[spmem:s11] =	stream.linear.scatter [tilespmem:s18], [sflag:$0xD], $0x2800, $0x38;
	[tilespmem:$0x1BE00] =	vst v63  }
0x78: {  	_ =	swait.ge [sflag:s9], $0x2800  }
0x79: {  	[sflag:s9] =	ssyncset.done $0x0  }
0x7a: {  	[sflag:s9] =	ssyncadd.s32 $0xFFFFD800  }
0x7b: {  	[bflag:$0x0] =	sbarrier.arrive $0xFFFF  }
0x7c: {  	s7 =	simm.s32 $0x0;
	s8 =	rddreg [dreg:$0x1d]  }
0x7d: {  	[tilespmem:s31], [sflag:$0x4] =	stream.linear.gather [hbm4b:s8+s7], $0x50, $0x38;
	[tilespmem:$0x1BE00] =	vst v63  }
0x7e: {  	s22 =	simm.s32 $0x7;
	s1 =	simm.s32 $0x14480;
	s19 =	rddreg [dreg:$0x1e]  }
0x7f: {  	[tilespmem:s1], [sflag:$0x4] =	stream.linear.gather [hbm4b:s19+s7], $0x50, $0x38;
	[tilespmem:$0x1BE00] =	vst v63  }
0x80: {  	_ =	swait.ge [sflag:s22], $0x2800  }
0x81: {  	[sflag:s22] =	ssyncset.done $0x0  }
0x82: {  	s26 =	simm.s32 $0x3;
	[sflag:s22] =	ssyncadd.s32 $0xFFFFD800  }
0x83: {  	[spmem:s16] =	stream.indirect.scatter.add.f32 [tilespmem:s15], [sflag:$0xA], $0x80, s12, s14, $0xb8;
	[tilespmem:$0x1BE00] =	vst v63  }
0x84: {  	_ =	swait.ge [sflag:s26], $0x50  }
0x85: {  	[sflag:s26] =	ssyncset.done $0x0  }
0x86: {  	[sflag:s26] =	ssyncadd.s32 $0xFFFFFFB0  }
0x87: {  	_ =	swait.ge [sflag:s26], $0x50  }
0x88: {  	[sflag:s26] =	ssyncset.done $0x0  }
0x89: {  	s20 =	rddreg [dreg:$0x1f];
	[sflag:s26] =	ssyncadd.s32 $0xFFFFFFB0  }
0x8a: {  	[tilespmem:s18], [sflag:$0x9] =	stream.indirect.gather [hbm4b:s2+s14], $0x80, s25, s14, $0xb8;
	[tilespmem:$0x1BE00] =	vst v63  }
0x8b: {  	s9 =	simm.s32 $0x14200;
	s28 =	sld [smem:$0x7F6]  }
0x8c: {  	[tilespmem:s9], [sflag:$0x5] =	stream.linear.gather [hbm4b:s20+s7], $0x50, $0x38;
	[tilespmem:$0x1BE00] =	vst v63  }
0x8d: {  	s29 =	simm.s32 $0x14500  }
0x8e: {  	[tilespmem:s29], [sflag:$0x5] =	stream.linear.gather [hbm4b:s28+s7], $0x50, $0x38;
	[tilespmem:$0x1BE00] =	vst v63  }
0x8f: {  	s28 =	simm.s32 $0x8  }
0x90: {  	_ =	swait.ge [sflag:s28], $0x2800  }
0x91: {  	[sflag:s28] =	ssyncset.done $0x0  }
0x92: {  	s29 =	simm.s32 $0xA;
	[sflag:s28] =	ssyncadd.s32 $0xFFFFD800  }
0x93: {  	_ =	swait.ge [sflag:s29], $0x2800  }
0x94: {  	[sflag:s29] =	ssyncset.done $0x0  }
0x95: {  	[sflag:s29] =	ssyncadd.s32 $0xFFFFD800  }
0x96: {  	[spmem:s16] =	stream.indirect.scatter.add.f32 [tilespmem:s17], [sflag:$0xB], $0x80, s24, s14, $0xb8;
	[tilespmem:$0x1BE00] =	vst v63  }
0x97: {  	_ =	swait.ge [sflag:s3], $0x50  }
0x98: {  	[sflag:s3] =	ssyncset.done $0x0  }
0x99: {  	[sflag:s3] =	ssyncadd.s32 $0xFFFFFFB0  }
0x9a: {  	_ =	swait.ge [sflag:s3], $0x50  }
0x9b: {  	[sflag:s3] =	ssyncset.done $0x0  }
0x9c: {  	s1 =	sld [smem:$0x7F8];
	[sflag:s3] =	ssyncadd.s32 $0xFFFFFFB0  }
0x9d: {  	[tilespmem:s15], [sflag:$0x7] =	stream.indirect.gather [hbm4b:s2+s14], $0x80, s31, s14, $0xb8;
	[tilespmem:$0x1BE00] =	vst v63  }
0x9e: {  	s6 =	simm.s32 $0x14280;
	s11 =	sld [smem:$0x7F9]  }
0x9f: {  	[tilespmem:s6], [sflag:$0x6] =	stream.linear.gather [hbm4b:s1+s7], $0x50, $0x38;
	[tilespmem:$0x1BE00] =	vst v63  }
0xa0: {  	s19 =	simm.s32 $0x14580;
	s6 =	simm.s32 $0x9  }
0xa1: {  	[tilespmem:s19], [sflag:$0x6] =	stream.linear.gather [hbm4b:s11+s7], $0x50, $0x38;
	[tilespmem:$0x1BE00] =	vst v63  }
0xa2: {  	_ =	swait.ge [sflag:s6], $0x2800  }
0xa3: {  	[sflag:s6] =	ssyncset.done $0x0  }
0xa4: {  	s11 =	simm.s32 $0xB;
	[sflag:s6] =	ssyncadd.s32 $0xFFFFD800  }
0xa5: {  	_ =	swait.ge [sflag:s11], $0x2800  }
0xa6: {  	[sflag:s11] =	ssyncset.done $0x0  }
0xa7: {  	s19 =	simm.s32 $0x5;
	[sflag:s11] =	ssyncadd.s32 $0xFFFFD800  }
0xa8: {  	[spmem:s16] =	stream.indirect.scatter.add.f32 [tilespmem:s18], [sflag:$0xC], $0x80, s0, s14, $0xb8;
	[tilespmem:$0x1BE00] =	vst v63  }
0xa9: {  	_ =	swait.ge [sflag:s19], $0x50  }
0xaa: {  	[sflag:s19] =	ssyncset.done $0x0  }
0xab: {  	[sflag:s19] =	ssyncadd.s32 $0xFFFFFFB0  }
0xac: {  	_ =	swait.ge [sflag:s19], $0x50  }
0xad: {  	[sflag:s19] =	ssyncset.done $0x0  }
0xae: {  	s1 =	sld [smem:$0x7FA];
	[sflag:s19] =	ssyncadd.s32 $0xFFFFFFB0  }
0xaf: {  	[tilespmem:s17], [sflag:$0x8] =	stream.indirect.gather [hbm4b:s2+s14], $0x80, s9, s14, $0xb8;
	[tilespmem:$0x1BE00] =	vst v63  }
0xb0: {  	s9 =	sld [smem:$0x7FB]  }
0xb1: {  	[tilespmem:s10], [sflag:$0x1] =	stream.linear.gather [hbm4b:s1+s7], $0x50, $0x38;
	[tilespmem:$0x1BE00] =	vst v63  }
0xb2: {  	_ = 	snop  }
0xb3: {  	[tilespmem:s12], [sflag:$0x1] =	stream.linear.gather [hbm4b:s9+s7], $0x50, $0x38;
	[tilespmem:$0x1BE00] =	vst v63  }
0xb4: {  	_ =	swait.ge [sflag:s22], $0x2800  }
0xb5: {  	[sflag:s22] =	ssyncset.done $0x0  }
0xb6: {  	s1 =	simm.s32 $0xC;
	[sflag:s22] =	ssyncadd.s32 $0xFFFFD800  }
0xb7: {  	_ =	swait.ge [sflag:s1], $0x2800  }
0xb8: {  	[sflag:s1] =	ssyncset.done $0x0  }
0xb9: {  	s23 =	simm.s32 $0x14480;
	[sflag:s1] =	ssyncadd.s32 $0xFFFFD800  }
0xba: {  	[spmem:s16] =	stream.indirect.scatter.add.f32 [tilespmem:s15], [sflag:$0xA], $0x80, s23, s14, $0xb8;
	[tilespmem:$0x1BE00] =	vst v63  }
0xbb: {  	s23 =	simm.s32 $0x6  }
0xbc: {  	_ =	swait.ge [sflag:s23], $0x50  }
0xbd: {  	[sflag:s23] =	ssyncset.done $0x0  }
0xbe: {  	[sflag:s23] =	ssyncadd.s32 $0xFFFFFFB0  }
0xbf: {  	_ =	swait.ge [sflag:s23], $0x50  }
0xc0: {  	[sflag:s23] =	ssyncset.done $0x0  }
0xc1: {  	s20 =	simm.s32 $0x14280;
	[sflag:s23] =	ssyncadd.s32 $0xFFFFFFB0  }
0xc2: {  	[tilespmem:s18], [sflag:$0x9] =	stream.indirect.gather [hbm4b:s2+s14], $0x80, s20, s14, $0xb8;
	[tilespmem:$0x1BE00] =	vst v63  }
0xc3: {  	s20 =	sld [smem:$0x7FC];
	_ =	sdelay $0x1  }
0xc4: {  	s9 =	sld [smem:$0x7FD]  }
0xc5: {  	[tilespmem:s30], [sflag:$0x2] =	stream.linear.gather [hbm4b:s20+s7], $0x50, $0x38;
	[tilespmem:$0x1BE00] =	vst v63  }
0xc6: {  	_ = 	snop  }
0xc7: {  	[tilespmem:s24], [sflag:$0x2] =	stream.linear.gather [hbm4b:s9+s7], $0x50, $0x38;
	[tilespmem:$0x1BE00] =	vst v63  }
0xc8: {  	_ =	swait.ge [sflag:s28], $0x2800  }
0xc9: {  	[sflag:s28] =	ssyncset.done $0x0  }
0xca: {  	[sflag:s28] =	ssyncadd.s32 $0xFFFFD800  }
0xcb: {  	_ =	swait.ge [sflag:s29], $0x2800  }
0xcc: {  	[sflag:s29] =	ssyncset.done $0x0  }
0xcd: {  	s4 =	simm.s32 $0x1;
	s20 =	simm.s32 $0x14500;
	[sflag:s29] =	ssyncadd.s32 $0xFFFFD800  }
0xce: {  	[spmem:s16] =	stream.indirect.scatter.add.f32 [tilespmem:s17], [sflag:$0xB], $0x80, s20, s14, $0xb8;
	[tilespmem:$0x1BE00] =	vst v63  }
0xcf: {  	_ =	swait.ge [sflag:s4], $0x50  }
0xd0: {  	[sflag:s4] =	ssyncset.done $0x0  }
0xd1: {  	[sflag:s4] =	ssyncadd.s32 $0xFFFFFFB0  }
0xd2: {  	_ =	swait.ge [sflag:s4], $0x50  }
0xd3: {  	[sflag:s4] =	ssyncset.done $0x0  }
0xd4: {  	s9 =	rddreg [dreg:$0xc];
	[sflag:s4] =	ssyncadd.s32 $0xFFFFFFB0  }
0xd5: {  	[tilespmem:s15], [sflag:$0x7] =	stream.indirect.gather [hbm4b:s2+s14], $0x80, s10, s14, $0xb8;
	[tilespmem:$0x1BE00] =	vst v63  }
0xd6: {  	s4 =	rddreg [dreg:$0xd];
	s8 =	sadd.s32 $0x0, s9  }
0xd7: {  	[tilespmem:s25], [sflag:$0x3] =	stream.linear.gather [hbm4b:s8+s5], $0x50, $0x38;
	[tilespmem:$0x1BE00] =	vst v63  }
0xd8: {  	s4 =	sadd.s32 $0x0, s4  }
0xd9: {  	[tilespmem:s0], [sflag:$0x3] =	stream.linear.gather [hbm4b:s4+s5], $0x50, $0x38;
	[tilespmem:$0x1BE00] =	vst v63  }
0xda: {  	_ =	swait.ge [sflag:s6], $0x2800  }
0xdb: {  	[sflag:s6] =	ssyncset.done $0x0  }
0xdc: {  	[sflag:s6] =	ssyncadd.s32 $0xFFFFD800  }
0xdd: {  	_ =	swait.ge [sflag:s11], $0x2800  }
0xde: {  	[sflag:s11] =	ssyncset.done $0x0  }
0xdf: {  	s8 =	simm.s32 $0x14580;
	[sflag:s11] =	ssyncadd.s32 $0xFFFFD800  }
0xe0: {  	[spmem:s16] =	stream.indirect.scatter.add.f32 [tilespmem:s18], [sflag:$0xC], $0x80, s8, s14, $0xb8;
	[tilespmem:$0x1BE00] =	vst v63  }
0xe1: {  	_ =	swait.ge [sflag:s13], $0x50  }
0xe2: {  	[sflag:s13] =	ssyncset.done $0x0  }
0xe3: {  	[sflag:s13] =	ssyncadd.s32 $0xFFFFFFB0  }
0xe4: {  	_ =	swait.ge [sflag:s13], $0x50  }
0xe5: {  	[sflag:s13] =	ssyncset.done $0x0  }
0xe6: {  	s9 =	rddreg [dreg:$0xa];
	[sflag:s13] =	ssyncadd.s32 $0xFFFFFFB0  }
0xe7: {  	[tilespmem:s17], [sflag:$0x8] =	stream.indirect.gather [hbm4b:s2+s14], $0x80, s30, s14, $0xb8;
	[tilespmem:$0x1BE00] =	vst v63  }
0xe8: {  	s13 =	rddreg [dreg:$0xb];
	s8 =	sadd.s32 $0x0, s9  }
0xe9: {  	[tilespmem:s31], [sflag:$0x4] =	stream.linear.gather [hbm4b:s8+s5], $0x50, $0x38;
	[tilespmem:$0x1BE00] =	vst v63  }
0xea: {  	s4 =	sadd.s32 $0x0, s13;
	s13 =	simm.s32 $0x14480  }
0xeb: {  	[tilespmem:s13], [sflag:$0x4] =	stream.linear.gather [hbm4b:s4+s5], $0x50, $0x38;
	[tilespmem:$0x1BE00] =	vst v63  }
0xec: {  	_ =	swait.ge [sflag:s22], $0x2800  }
0xed: {  	[sflag:s22] =	ssyncset.done $0x0  }
0xee: {  	[sflag:s22] =	ssyncadd.s32 $0xFFFFD800  }
0xef: {  	_ =	swait.ge [sflag:s1], $0x2800  }
0xf0: {  	[sflag:s1] =	ssyncset.done $0x0  }
0xf1: {  	[sflag:s1] =	ssyncadd.s32 $0xFFFFD800  }
0xf2: {  	[spmem:s16] =	stream.indirect.scatter.add.f32 [tilespmem:s15], [sflag:$0xA], $0x80, s12, s14, $0xb8;
	[tilespmem:$0x1BE00] =	vst v63  }
0xf3: {  	_ =	swait.ge [sflag:s26], $0x50  }
0xf4: {  	[sflag:s26] =	ssyncset.done $0x0  }
0xf5: {  	[sflag:s26] =	ssyncadd.s32 $0xFFFFFFB0  }
0xf6: {  	_ =	swait.ge [sflag:s26], $0x50  }
0xf7: {  	[sflag:s26] =	ssyncset.done $0x0  }
0xf8: {  	s9 =	rddreg [dreg:$0x8];
	[sflag:s26] =	ssyncadd.s32 $0xFFFFFFB0  }
0xf9: {  	[tilespmem:s18], [sflag:$0x9] =	stream.indirect.gather [hbm4b:s2+s14], $0x80, s25, s14, $0xb8;
	[tilespmem:$0x1BE00] =	vst v63  }
0xfa: {  	s4 =	rddreg [dreg:$0x9];
	s8 =	sadd.s32 $0x0, s9;
	s25 =	simm.s32 $0x14200  }
0xfb: {  	[tilespmem:s25], [sflag:$0x5] =	stream.linear.gather [hbm4b:s8+s5], $0x50, $0x38;
	[tilespmem:$0x1BE00] =	vst v63  }
0xfc: {  	s20 =	simm.s32 $0x14500;
	s4 =	sadd.s32 $0x0, s4  }
0xfd: {  	[tilespmem:s20], [sflag:$0x5] =	stream.linear.gather [hbm4b:s4+s5], $0x50, $0x38;
	[tilespmem:$0x1BE00] =	vst v63  }
0xfe: {  	_ =	swait.ge [sflag:s28], $0x2800  }
0xff: {  	[sflag:s28] =	ssyncset.done $0x0  }
0x100: {  	[sflag:s28] =	ssyncadd.s32 $0xFFFFD800  }
0x101: {  	_ =	swait.ge [sflag:s29], $0x2800  }
0x102: {  	[sflag:s29] =	ssyncset.done $0x0  }
0x103: {  	[sflag:s29] =	ssyncadd.s32 $0xFFFFD800  }
0x104: {  	[spmem:s16] =	stream.indirect.scatter.add.f32 [tilespmem:s17], [sflag:$0xB], $0x80, s24, s14, $0xb8;
	[tilespmem:$0x1BE00] =	vst v63  }
0x105: {  	_ =	swait.ge [sflag:s3], $0x50  }
0x106: {  	[sflag:s3] =	ssyncset.done $0x0  }
0x107: {  	s9 =	smin.u32 s7, $0x71;
	[sflag:s3] =	ssyncadd.s32 $0xFFFFFFB0  }
0x108: {  	s8 =	smul.u32 $0x50, s9;
	_ =	swait.ge [sflag:s3], $0x50  }
0x109: {  	s20 =	rddreg [dreg:$0x5]  }
0x10a: {  	[sflag:s3] =	ssyncset.done $0x0;
	s8 =	sadd.s32 s8, s20  }
0x10b: {  	[sflag:s3] =	ssyncadd.s32 $0xFFFFFFB0;
	s8 =	sshrl.u32 s8, $0x3  }
0x10c: {  	[tilespmem:s15], [sflag:$0x7] =	stream.indirect.gather [hbm4b:s2+s14], $0x80, s31, s14, $0xb8;
	[tilespmem:$0x1BE00] =	vst v63  }
0x10d: {  	s4 =	simm.s32 $0x14280;
	s8 =	sadd.s32 s21, s8  }
0x10e: {  	[tilespmem:s4], [sflag:$0x6] =	stream.linear.gather [hbm4b:s8+s5], $0x50, $0x38;
	[tilespmem:$0x1BE00] =	vst v63  }
0x10f: {  	s31 =	simm.s32 $0x14580;
	s8 =	sadd.s32 $0x9C40, s8  }
0x110: {  	[tilespmem:s31], [sflag:$0x6] =	stream.linear.gather [hbm4b:s8+s5], $0x50, $0x38;
	[tilespmem:$0x1BE00] =	vst v63  }
0x111: {  	_ =	swait.ge [sflag:s6], $0x2800  }
0x112: {  	[sflag:s6] =	ssyncset.done $0x0  }
0x113: {  	[sflag:s6] =	ssyncadd.s32 $0xFFFFD800  }
0x114: {  	_ =	swait.ge [sflag:s11], $0x2800  }
0x115: {  	[sflag:s11] =	ssyncset.done $0x0  }
0x116: {  	[sflag:s11] =	ssyncadd.s32 $0xFFFFD800  }
0x117: {  	[spmem:s16] =	stream.indirect.scatter.add.f32 [tilespmem:s18], [sflag:$0xC], $0x80, s0, s14, $0xb8;
	[tilespmem:$0x1BE00] =	vst v63  }
0x118: {  	_ =	swait.ge [sflag:s19], $0x50  }
0x119: {  	[sflag:s19] =	ssyncset.done $0x0  }
0x11a: {  	s9 =	smin.u32 s7, $0x70;
	[sflag:s19] =	ssyncadd.s32 $0xFFFFFFB0  }
0x11b: {  	s8 =	smul.u32 $0x50, s9;
	_ =	swait.ge [sflag:s19], $0x50  }
0x11c: {  	[sflag:s19] =	ssyncset.done $0x0;
	s11 =	rddreg [dreg:$0x6]  }
0x11d: {  	[sflag:s19] =	ssyncadd.s32 $0xFFFFFFB0;
	s8 =	sadd.s32 s8, s11  }
0x11e: {  	[tilespmem:s17], [sflag:$0x8] =	stream.indirect.gather [hbm4b:s2+s14], $0x80, s25, s14, $0xb8;
	[tilespmem:$0x1BE00] =	vst v63  }
0x11f: {  	s8 =	sshrl.u32 s8, $0x3  }
0x120: {  	s8 =	sadd.s32 s21, s8  }
0x121: {  	[tilespmem:s10], [sflag:$0x1] =	stream.linear.gather [hbm4b:s8+s5], $0x50, $0x38;
	[tilespmem:$0x1BE00] =	vst v63  }
0x122: {  	s8 =	sadd.s32 $0x9C40, s8  }
0x123: {  	[tilespmem:s12], [sflag:$0x1] =	stream.linear.gather [hbm4b:s8+s5], $0x50, $0x38;
	[tilespmem:$0x1BE00] =	vst v63  }
0x124: {  	_ =	swait.ge [sflag:s22], $0x2800  }
0x125: {  	[sflag:s22] =	ssyncset.done $0x0  }
0x126: {  	[sflag:s22] =	ssyncadd.s32 $0xFFFFD800  }
0x127: {  	_ =	swait.ge [sflag:s1], $0x2800  }
0x128: {  	[sflag:s1] =	ssyncset.done $0x0  }
0x129: {  	[sflag:s1] =	ssyncadd.s32 $0xFFFFD800  }
0x12a: {  	[spmem:s16] =	stream.indirect.scatter.add.f32 [tilespmem:s15], [sflag:$0xA], $0x80, s13, s14, $0xb8;
	[tilespmem:$0x1BE00] =	vst v63  }
0x12b: {  	_ =	swait.ge [sflag:s23], $0x50  }
0x12c: {  	[sflag:s23] =	ssyncset.done $0x0  }
0x12d: {  	s25 =	smin.u32 s7, $0x6F;
	[sflag:s23] =	ssyncadd.s32 $0xFFFFFFB0  }
0x12e: {  	s8 =	smul.u32 $0x50, s25;
	_ =	swait.ge [sflag:s23], $0x50  }
0x12f: {  	[sflag:s23] =	ssyncset.done $0x0;
	s31 =	rddreg [dreg:$0x7]  }
0x130: {  	[sflag:s23] =	ssyncadd.s32 $0xFFFFFFB0;
	s8 =	sadd.s32 s8, s31  }
0x131: {  	[tilespmem:s18], [sflag:$0x9] =	stream.indirect.gather [hbm4b:s2+s14], $0x80, s4, s14, $0xb8;
	[tilespmem:$0x1BE00] =	vst v63  }
0x132: {  	s8 =	sshrl.u32 s8, $0x3  }
0x133: {  	s8 =	sadd.s32 s21, s8  }
0x134: {  	[tilespmem:s30], [sflag:$0x2] =	stream.linear.gather [hbm4b:s8+s5], $0x50, $0x38;
	[tilespmem:$0x1BE00] =	vst v63  }
0x135: {  	s8 =	sadd.s32 $0x9C40, s8  }
0x136: {  	[tilespmem:s24], [sflag:$0x2] =	stream.linear.gather [hbm4b:s8+s5], $0x50, $0x38;
	[tilespmem:$0x1BE00] =	vst v63  }
0x137: {  	_ =	swait.ge [sflag:s28], $0x2800  }
0x138: {  	[sflag:s28] =	ssyncset.done $0x0  }
0x139: {  	[sflag:s28] =	ssyncadd.s32 $0xFFFFD800  }
0x13a: {  	_ =	swait.ge [sflag:s29], $0x2800  }
0x13b: {  	s20 =	simm.s32 $0x14500;
	[sflag:s29] =	ssyncset.done $0x0  }
0x13c: {  	s0 =	smov.u32 s2;
	s2 =	simm.s32 $0x1;
	[sflag:s29] =	ssyncadd.s32 $0xFFFFD800  }
0x13d: {  	[spmem:s16] =	stream.indirect.scatter.add.f32 [tilespmem:s17], [sflag:$0xB], $0x80, s20, s14, $0xb8;
	[tilespmem:$0x1BE00] =	vst v63  }
0x13e: {  	_ =	swait.ge [sflag:s2], $0x50  }
0x13f: {  	[sflag:s2] =	ssyncset.done $0x0  }
0x140: {  	s9 =	simm.s32 $0x78;
	[sflag:s2] =	ssyncadd.s32 $0xFFFFFFB0  }
0x141: {  	s22 =	simm.s32 $0x2;
	s8 =	simm.s32 $0x3C;
	_ =	swait.ge [sflag:s2], $0x50  }
.LBB2_4:
0x142: {  	s10 =	rddreg [dreg:$0xc];
	[sflag:s2] =	ssyncset.done $0x0  }
0x143: {  	s17 =	simm.s32 $0x14600;
	s30 =	simm.s32 $0x14000;
	[sflag:s2] =	ssyncadd.s32 $0xFFFFFFB0  }
0x144: {  	[tilespmem:s17], [sflag:$0x7] =	stream.indirect.gather [hbm4b:s0+s14], $0x80, s30, s14, $0xb8;
	[tilespmem:$0x1BE00] =	vst v63  }
0x145: {  	s12 =	rddreg [dreg:$0xd];
	s11 =	simm.s32 $0x14100;
	s20 =	sadd.s32 s8, s10  }
0x146: {  	[tilespmem:s11], [sflag:$0x3] =	stream.linear.gather [hbm4b:s20+s5], $0x50, $0x38;
	[tilespmem:$0x1BE00] =	vst v63  }
0x147: {  	s13 =	simm.s32 $0x14400;
	s28 =	simm.s32 $0x9;
	s12 =	sadd.s32 s8, s12  }
0x148: {  	[tilespmem:s13], [sflag:$0x3] =	stream.linear.gather [hbm4b:s12+s5], $0x50, $0x38;
	[tilespmem:$0x1BE00] =	vst v63  }
0x149: {  	_ =	swait.ge [sflag:s28], $0x2800  }
0x14a: {  	[sflag:s28] =	ssyncset.done $0x0  }
0x14b: {  	s23 =	simm.s32 $0xB;
	[sflag:s28] =	ssyncadd.s32 $0xFFFFD800  }
0x14c: {  	_ =	swait.ge [sflag:s23], $0x2800  }
0x14d: {  	[sflag:s23] =	ssyncset.done $0x0  }
0x14e: {  	s24 =	simm.s32 $0x19600;
	s0 =	simm.s32 $0x14580;
	[sflag:s23] =	ssyncadd.s32 $0xFFFFD800  }
0x14f: {  	[spmem:s16] =	stream.indirect.scatter.add.f32 [tilespmem:s24], [sflag:$0xC], $0x80, s0, s14, $0xb8;
	[tilespmem:$0x1BE00] =	vst v63  }
0x150: {  	_ =	swait.ge [sflag:s22], $0x50  }
0x151: {  	[sflag:s22] =	ssyncset.done $0x0  }
0x152: {  	[sflag:s22] =	ssyncadd.s32 $0xFFFFFFB0  }
0x153: {  	_ =	swait.ge [sflag:s22], $0x50  }
0x154: {  	[sflag:s22] =	ssyncset.done $0x0  }
0x155: {  	s1 =	rddreg [dreg:$0xa];
	[sflag:s22] =	ssyncadd.s32 $0xFFFFFFB0  }
0x156: {  	s18 =	simm.s32 $0x16E00;
	s2 =	simm.s32 $0x14080;
	s6 =	rddreg [dreg:$0x1]  }
0x157: {  	[tilespmem:s18], [sflag:$0x8] =	stream.indirect.gather [hbm4b:s6+s14], $0x80, s2, s14, $0xb8;
	[tilespmem:$0x1BE00] =	vst v63  }
0x158: {  	s4 =	rddreg [dreg:$0xb];
	s12 =	sadd.s32 s8, s1;
	s1 =	simm.s32 $0x14180  }
0x159: {  	[tilespmem:s1], [sflag:$0x4] =	stream.linear.gather [hbm4b:s12+s5], $0x50, $0x38;
	[tilespmem:$0x1BE00] =	vst v63  }
0x15a: {  	s25 =	simm.s32 $0x14480;
	s19 =	sadd.s32 s8, s4;
	s6 =	simm.s32 $0x7  }
0x15b: {  	[tilespmem:s25], [sflag:$0x4] =	stream.linear.gather [hbm4b:s19+s5], $0x50, $0x38;
	[tilespmem:$0x1BE00] =	vst v63  }
0x15c: {  	_ =	swait.ge [sflag:s6], $0x2800  }
0x15d: {  	[sflag:s6] =	ssyncset.done $0x0  }
0x15e: {  	s19 =	simm.s32 $0xC;
	[sflag:s6] =	ssyncadd.s32 $0xFFFFD800  }
0x15f: {  	_ =	swait.ge [sflag:s19], $0x2800  }
0x160: {  	[sflag:s19] =	ssyncset.done $0x0  }
0x161: {  	s4 =	smov.u32 s16;
	s16 =	simm.s32 $0x14300;
	[sflag:s19] =	ssyncadd.s32 $0xFFFFD800  }
0x162: {  	[spmem:s4] =	stream.indirect.scatter.add.f32 [tilespmem:s17], [sflag:$0xA], $0x80, s16, s14, $0xb8;
	[tilespmem:$0x1BE00] =	vst v63  }
0x163: {  	_ =	swait.ge [sflag:s26], $0x50  }
0x164: {  	[sflag:s26] =	ssyncset.done $0x0  }
0x165: {  	[sflag:s26] =	ssyncadd.s32 $0xFFFFFFB0  }
0x166: {  	_ =	swait.ge [sflag:s26], $0x50  }
0x167: {  	[sflag:s26] =	ssyncset.done $0x0  }
0x168: {  	s20 =	rddreg [dreg:$0x8];
	[sflag:s26] =	ssyncadd.s32 $0xFFFFFFB0  }
0x169: {  	s18 =	simm.s32 $0x19600;
	s31 =	rddreg [dreg:$0x1]  }
0x16a: {  	[tilespmem:s18], [sflag:$0x9] =	stream.indirect.gather [hbm4b:s31+s14], $0x80, s11, s14, $0xb8;
	[tilespmem:$0x1BE00] =	vst v63  }
0x16b: {  	s25 =	simm.s32 $0x14200;
	s29 =	rddreg [dreg:$0x9];
	s12 =	sadd.s32 s8, s20  }
0x16c: {  	[tilespmem:s25], [sflag:$0x5] =	stream.linear.gather [hbm4b:s12+s5], $0x50, $0x38;
	[tilespmem:$0x1BE00] =	vst v63  }
0x16d: {  	s15 =	simm.s32 $0x14500;
	s11 =	sadd.s32 s8, s29;
	s29 =	simm.s32 $0x8  }
0x16e: {  	[tilespmem:s15], [sflag:$0x5] =	stream.linear.gather [hbm4b:s11+s5], $0x50, $0x38;
	[tilespmem:$0x1BE00] =	vst v63  }
0x16f: {  	_ =	swait.ge [sflag:s29], $0x2800  }
0x170: {  	[sflag:s29] =	ssyncset.done $0x0  }
0x171: {  	s11 =	simm.s32 $0xA;
	[sflag:s29] =	ssyncadd.s32 $0xFFFFD800  }
0x172: {  	_ =	swait.ge [sflag:s11], $0x2800  }
0x173: {  	[sflag:s11] =	ssyncset.done $0x0  }
0x174: {  	s17 =	simm.s32 $0x16E00;
	s31 =	simm.s32 $0x14380;
	[sflag:s11] =	ssyncadd.s32 $0xFFFFD800  }
0x175: {  	[spmem:s4] =	stream.indirect.scatter.add.f32 [tilespmem:s17], [sflag:$0xB], $0x80, s31, s14, $0xb8;
	[tilespmem:$0x1BE00] =	vst v63  }
0x176: {  	_ =	swait.ge [sflag:s3], $0x50  }
0x177: {  	s7 =	sadd.s32 $0x6, s7;
	[sflag:s3] =	ssyncset.done $0x0  }
0x178: {  	s10 =	smov.u32 s9;
	s12 =	smin.u32 s7, $0x71;
	[sflag:s3] =	ssyncadd.s32 $0xFFFFFFB0  }
0x179: {  	s8 =	smov.u32 s10;
	s10 =	smul.u32 $0x50, s12;
	_ =	swait.ge [sflag:s3], $0x50  }
0x17a: {  	s24 =	rddreg [dreg:$0x5];
	[sflag:s3] =	ssyncset.done $0x0  }
0x17b: {  	[sflag:s3] =	ssyncadd.s32 $0xFFFFFFB0;
	s10 =	sadd.s32 s10, s24  }
0x17c: {  	s15 =	simm.s32 $0x14600;
	s10 =	sshrl.u32 s10, $0x3;
	s24 =	rddreg [dreg:$0x1]  }
0x17d: {  	[tilespmem:s15], [sflag:$0x7] =	stream.indirect.gather [hbm4b:s24+s14], $0x80, s1, s14, $0xb8;
	[tilespmem:$0x1BE00] =	vst v63  }
0x17e: {  	s10 =	sadd.s32 s21, s10;
	s24 =	simm.s32 $0x14280  }
0x17f: {  	[tilespmem:s24], [sflag:$0x6] =	stream.linear.gather [hbm4b:s10+s5], $0x50, $0x38;
	[tilespmem:$0x1BE00] =	vst v63  }
0x180: {  	s1 =	sadd.s32 $0x9C40, s10  }
0x181: {  	[tilespmem:s0], [sflag:$0x6] =	stream.linear.gather [hbm4b:s1+s5], $0x50, $0x38;
	[tilespmem:$0x1BE00] =	vst v63  }
0x182: {  	s0 =	rddreg [dreg:$0x1];
	_ =	swait.ge [sflag:s28], $0x2800  }
0x183: {  	[sflag:s28] =	ssyncset.done $0x0  }
0x184: {  	[sflag:s28] =	ssyncadd.s32 $0xFFFFD800  }
0x185: {  	_ =	swait.ge [sflag:s23], $0x2800  }
0x186: {  	[sflag:s23] =	ssyncset.done $0x0  }
0x187: {  	s28 =	simm.s32 $0x5;
	[sflag:s23] =	ssyncadd.s32 $0xFFFFD800  }
0x188: {  	[spmem:s4] =	stream.indirect.scatter.add.f32 [tilespmem:s18], [sflag:$0xC], $0x80, s13, s14, $0xb8;
	[tilespmem:$0x1BE00] =	vst v63  }
0x189: {  	_ =	swait.ge [sflag:s28], $0x50  }
0x18a: {  	[sflag:s28] =	ssyncset.done $0x0  }
0x18b: {  	s12 =	smin.u32 s7, $0x70;
	[sflag:s28] =	ssyncadd.s32 $0xFFFFFFB0  }
0x18c: {  	s10 =	smul.u32 $0x50, s12;
	_ =	swait.ge [sflag:s28], $0x50  }
0x18d: {  	[sflag:s28] =	ssyncset.done $0x0;
	s13 =	rddreg [dreg:$0x6]  }
0x18e: {  	[sflag:s28] =	ssyncadd.s32 $0xFFFFFFB0;
	s10 =	sadd.s32 s10, s13  }
0x18f: {  	[tilespmem:s17], [sflag:$0x8] =	stream.indirect.gather [hbm4b:s0+s14], $0x80, s25, s14, $0xb8;
	[tilespmem:$0x1BE00] =	vst v63  }
0x190: {  	s10 =	sshrl.u32 s10, $0x3  }
0x191: {  	s10 =	sadd.s32 s21, s10  }
0x192: {  	[tilespmem:s30], [sflag:$0x1] =	stream.linear.gather [hbm4b:s10+s5], $0x50, $0x38;
	[tilespmem:$0x1BE00] =	vst v63  }
0x193: {  	s10 =	sadd.s32 $0x9C40, s10  }
0x194: {  	[tilespmem:s16], [sflag:$0x1] =	stream.linear.gather [hbm4b:s10+s5], $0x50, $0x38;
	[tilespmem:$0x1BE00] =	vst v63  }
0x195: {  	_ =	swait.ge [sflag:s6], $0x2800  }
0x196: {  	[sflag:s6] =	ssyncset.done $0x0  }
0x197: {  	[sflag:s6] =	ssyncadd.s32 $0xFFFFD800  }
0x198: {  	_ =	swait.ge [sflag:s19], $0x2800  }
0x199: {  	[sflag:s19] =	ssyncset.done $0x0  }
0x19a: {  	s20 =	simm.s32 $0x14480;
	s23 =	simm.s32 $0x6;
	[sflag:s19] =	ssyncadd.s32 $0xFFFFD800  }
0x19b: {  	[spmem:s4] =	stream.indirect.scatter.add.f32 [tilespmem:s15], [sflag:$0xA], $0x80, s20, s14, $0xb8;
	[tilespmem:$0x1BE00] =	vst v63  }
0x19c: {  	_ =	swait.ge [sflag:s23], $0x50  }
0x19d: {  	[sflag:s23] =	ssyncset.done $0x0  }
0x19e: {  	s28 =	smin.u32 s7, $0x6F;
	[sflag:s23] =	ssyncadd.s32 $0xFFFFFFB0  }
0x19f: {  	s10 =	smul.u32 $0x50, s28;
	_ =	swait.ge [sflag:s23], $0x50  }
0x1a0: {  	[sflag:s23] =	ssyncset.done $0x0;
	s30 =	rddreg [dreg:$0x7]  }
0x1a1: {  	[sflag:s23] =	ssyncadd.s32 $0xFFFFFFB0;
	s10 =	sadd.s32 s10, s30  }
0x1a2: {  	[tilespmem:s18], [sflag:$0x9] =	stream.indirect.gather [hbm4b:s0+s14], $0x80, s24, s14, $0xb8;
	[tilespmem:$0x1BE00] =	vst v63  }
0x1a3: {  	s10 =	sshrl.u32 s10, $0x3  }
0x1a4: {  	s10 =	sadd.s32 s21, s10  }
0x1a5: {  	[tilespmem:s2], [sflag:$0x2] =	stream.linear.gather [hbm4b:s10+s5], $0x50, $0x38;
	[tilespmem:$0x1BE00] =	vst v63  }
0x1a6: {  	s10 =	sadd.s32 $0x9C40, s10  }
0x1a7: {  	[tilespmem:s31], [sflag:$0x2] =	stream.linear.gather [hbm4b:s10+s5], $0x50, $0x38;
	[tilespmem:$0x1BE00] =	vst v63  }
0x1a8: {  	_ =	swait.ge [sflag:s29], $0x2800  }
0x1a9: {  	[sflag:s29] =	ssyncset.done $0x0  }
0x1aa: {  	[sflag:s29] =	ssyncadd.s32 $0xFFFFD800  }
0x1ab: {  	_ =	swait.ge [sflag:s11], $0x2800  }
0x1ac: {  	[sflag:s11] =	ssyncset.done $0x0  }
0x1ad: {  	p0 =	sne.s32 s9, $0x474;
	s12 =	simm.s32 $0x14500;
	[sflag:s11] =	ssyncadd.s32 $0xFFFFD800  }
0x1ae: {  	[spmem:s4] =	stream.indirect.scatter.add.f32 [tilespmem:s17], [sflag:$0xB], $0x80, s12, s14, $0xb8;
	[tilespmem:$0x1BE00] =	vst v63  }
.Ltmp1:
0x1af: {  	s2 =	simm.s32 $0x1;
	(pc) =	sbr.rel @p0 .LBB2_4-.Ltmp1, $4  }
0x1b0: {  	_ =	swait.ge [sflag:s2], $0x50  }
0x1b1: {  	[sflag:s2] =	ssyncset.done $0x0  }
0x1b2: {  	[sflag:s2] =	ssyncadd.s32 $0xFFFFFFB0  }
0x1b3: {  	s9 =	sadd.s32 $0x3C, s9;
	s16 =	smov.u32 s4;
	_ =	swait.ge [sflag:s2], $0x50  }
0x1b4: {  	[sflag:s2] =	ssyncset.done $0x0  }
0x1b5: {  	s9 =	rddreg [dreg:$0xc];
	s24 =	simm.s32 $0x14000;
	[sflag:s2] =	ssyncadd.s32 $0xFFFFFFB0  }
0x1b6: {  	[tilespmem:s15], [sflag:$0x7] =	stream.indirect.gather [hbm4b:s0+s14], $0x80, s24, s14, $0xb8;
	[tilespmem:$0x1BE00] =	vst v63  }
0x1b7: {  	s10 =	rddreg [dreg:$0xd];
	s11 =	simm.s32 $0x14100;
	s9 =	sadd.s32 s8, s9  }
0x1b8: {  	[tilespmem:s11], [sflag:$0x3] =	stream.linear.gather [hbm4b:s9+s5], $0x50, $0x38;
	[tilespmem:$0x1BE00] =	vst v63  }
0x1b9: {  	s28 =	simm.s32 $0x14400;
	s13 =	sadd.s32 s8, s10  }
0x1ba: {  	[tilespmem:s28], [sflag:$0x3] =	stream.linear.gather [hbm4b:s13+s5], $0x50, $0x38;
	[tilespmem:$0x1BE00] =	vst v63  }
0x1bb: {  	s13 =	simm.s32 $0x9  }
0x1bc: {  	_ =	swait.ge [sflag:s13], $0x2800  }
0x1bd: {  	[sflag:s13] =	ssyncset.done $0x0  }
0x1be: {  	s23 =	simm.s32 $0xB;
	[sflag:s13] =	ssyncadd.s32 $0xFFFFD800  }
0x1bf: {  	_ =	swait.ge [sflag:s23], $0x2800  }
0x1c0: {  	[sflag:s23] =	ssyncset.done $0x0  }
0x1c1: {  	s31 =	smov.u32 s0;
	s0 =	simm.s32 $0x14580;
	[sflag:s23] =	ssyncadd.s32 $0xFFFFD800  }
0x1c2: {  	[spmem:s16] =	stream.indirect.scatter.add.f32 [tilespmem:s18], [sflag:$0xC], $0x80, s0, s14, $0xb8;
	[tilespmem:$0x1BE00] =	vst v63  }
0x1c3: {  	_ =	swait.ge [sflag:s22], $0x50  }
0x1c4: {  	[sflag:s22] =	ssyncset.done $0x0  }
0x1c5: {  	[sflag:s22] =	ssyncadd.s32 $0xFFFFFFB0  }
0x1c6: {  	_ =	swait.ge [sflag:s22], $0x50  }
0x1c7: {  	[sflag:s22] =	ssyncset.done $0x0  }
0x1c8: {  	s2 =	simm.s32 $0x14080;
	s19 =	rddreg [dreg:$0xa];
	[sflag:s22] =	ssyncadd.s32 $0xFFFFFFB0  }
0x1c9: {  	[tilespmem:s17], [sflag:$0x8] =	stream.indirect.gather [hbm4b:s31+s14], $0x80, s2, s14, $0xb8;
	[tilespmem:$0x1BE00] =	vst v63  }
0x1ca: {  	s1 =	simm.s32 $0x14180;
	s29 =	rddreg [dreg:$0xb];
	s9 =	sadd.s32 s8, s19  }
0x1cb: {  	[tilespmem:s1], [sflag:$0x4] =	stream.linear.gather [hbm4b:s9+s5], $0x50, $0x38;
	[tilespmem:$0x1BE00] =	vst v63  }
0x1cc: {  	s6 =	sadd.s32 s8, s29  }
0x1cd: {  	[tilespmem:s20], [sflag:$0x4] =	stream.linear.gather [hbm4b:s6+s5], $0x50, $0x38;
	[tilespmem:$0x1BE00] =	vst v63  }
0x1ce: {  	s6 =	simm.s32 $0x7  }
0x1cf: {  	_ =	swait.ge [sflag:s6], $0x2800  }
0x1d0: {  	[sflag:s6] =	ssyncset.done $0x0  }
0x1d1: {  	s19 =	simm.s32 $0xC;
	[sflag:s6] =	ssyncadd.s32 $0xFFFFD800  }
0x1d2: {  	_ =	swait.ge [sflag:s19], $0x2800  }
0x1d3: {  	[sflag:s19] =	ssyncset.done $0x0  }
0x1d4: {  	s16 =	simm.s32 $0x14300;
	[sflag:s19] =	ssyncadd.s32 $0xFFFFD800  }
0x1d5: {  	[spmem:s4] =	stream.indirect.scatter.add.f32 [tilespmem:s15], [sflag:$0xA], $0x80, s16, s14, $0xb8;
	[tilespmem:$0x1BE00] =	vst v63  }
0x1d6: {  	_ =	swait.ge [sflag:s26], $0x50  }
0x1d7: {  	[sflag:s26] =	ssyncset.done $0x0  }
0x1d8: {  	[sflag:s26] =	ssyncadd.s32 $0xFFFFFFB0  }
0x1d9: {  	_ =	swait.ge [sflag:s26], $0x50  }
0x1da: {  	[sflag:s26] =	ssyncset.done $0x0  }
0x1db: {  	s10 =	rddreg [dreg:$0x8];
	[sflag:s26] =	ssyncadd.s32 $0xFFFFFFB0  }
0x1dc: {  	[tilespmem:s18], [sflag:$0x9] =	stream.indirect.gather [hbm4b:s31+s14], $0x80, s11, s14, $0xb8;
	[tilespmem:$0x1BE00] =	vst v63  }
0x1dd: {  	s26 =	rddreg [dreg:$0x9];
	s9 =	sadd.s32 s8, s10  }
0x1de: {  	[tilespmem:s25], [sflag:$0x5] =	stream.linear.gather [hbm4b:s9+s5], $0x50, $0x38;
	[tilespmem:$0x1BE00] =	vst v63  }
0x1df: {  	s29 =	sadd.s32 s8, s26;
	s26 =	simm.s32 $0x8  }
0x1e0: {  	[tilespmem:s12], [sflag:$0x5] =	stream.linear.gather [hbm4b:s29+s5], $0x50, $0x38;
	[tilespmem:$0x1BE00] =	vst v63  }
0x1e1: {  	_ =	swait.ge [sflag:s26], $0x2800  }
0x1e2: {  	[sflag:s26] =	ssyncset.done $0x0  }
0x1e3: {  	s11 =	simm.s32 $0xA;
	[sflag:s26] =	ssyncadd.s32 $0xFFFFD800  }
0x1e4: {  	_ =	swait.ge [sflag:s11], $0x2800  }
0x1e5: {  	[sflag:s11] =	ssyncset.done $0x0  }
0x1e6: {  	s30 =	simm.s32 $0x14380;
	[sflag:s11] =	ssyncadd.s32 $0xFFFFD800  }
0x1e7: {  	[spmem:s4] =	stream.indirect.scatter.add.f32 [tilespmem:s17], [sflag:$0xB], $0x80, s30, s14, $0xb8;
	[tilespmem:$0x1BE00] =	vst v63  }
0x1e8: {  	_ =	swait.ge [sflag:s3], $0x50  }
0x1e9: {  	s7 =	sadd.s32 $0x6, s7;
	[sflag:s3] =	ssyncset.done $0x0  }
0x1ea: {  	s9 =	smin.u32 s7, $0x71;
	[sflag:s3] =	ssyncadd.s32 $0xFFFFFFB0  }
0x1eb: {  	s8 =	smul.u32 $0x50, s9;
	_ =	swait.ge [sflag:s3], $0x50  }
0x1ec: {  	s10 =	rddreg [dreg:$0x5]  }
0x1ed: {  	[sflag:s3] =	ssyncset.done $0x0;
	s8 =	sadd.s32 s8, s10  }
0x1ee: {  	[sflag:s3] =	ssyncadd.s32 $0xFFFFFFB0;
	s8 =	sshrl.u32 s8, $0x3  }
0x1ef: {  	[tilespmem:s15], [sflag:$0x7] =	stream.indirect.gather [hbm4b:s31+s14], $0x80, s1, s14, $0xb8;
	[tilespmem:$0x1BE00] =	vst v63  }
0x1f0: {  	s10 =	simm.s32 $0x14280;
	s8 =	sadd.s32 s21, s8  }
0x1f1: {  	[tilespmem:s10], [sflag:$0x6] =	stream.linear.gather [hbm4b:s8+s5], $0x50, $0x38;
	[tilespmem:$0x1BE00] =	vst v63  }
0x1f2: {  	s8 =	sadd.s32 $0x9C40, s8  }
0x1f3: {  	[tilespmem:s0], [sflag:$0x6] =	stream.linear.gather [hbm4b:s8+s5], $0x50, $0x38;
	[tilespmem:$0x1BE00] =	vst v63  }
0x1f4: {  	_ =	swait.ge [sflag:s13], $0x2800  }
0x1f5: {  	[sflag:s13] =	ssyncset.done $0x0  }
0x1f6: {  	[sflag:s13] =	ssyncadd.s32 $0xFFFFD800  }
0x1f7: {  	_ =	swait.ge [sflag:s23], $0x2800  }
0x1f8: {  	[sflag:s23] =	ssyncset.done $0x0  }
0x1f9: {  	[sflag:s23] =	ssyncadd.s32 $0xFFFFD800  }
0x1fa: {  	[spmem:s4] =	stream.indirect.scatter.add.f32 [tilespmem:s18], [sflag:$0xC], $0x80, s28, s14, $0xb8;
	[tilespmem:$0x1BE00] =	vst v63  }
0x1fb: {  	s28 =	simm.s32 $0x5  }
0x1fc: {  	_ =	swait.ge [sflag:s28], $0x50  }
0x1fd: {  	[sflag:s28] =	ssyncset.done $0x0  }
0x1fe: {  	s29 =	smin.u32 s7, $0x70;
	[sflag:s28] =	ssyncadd.s32 $0xFFFFFFB0  }
0x1ff: {  	s8 =	smul.u32 $0x50, s29;
	_ =	swait.ge [sflag:s28], $0x50  }
0x200: {  	s1 =	rddreg [dreg:$0x6];
	[sflag:s28] =	ssyncset.done $0x0  }
0x201: {  	s8 =	sadd.s32 s8, s1;
	[sflag:s28] =	ssyncadd.s32 $0xFFFFFFB0  }
0x202: {  	[tilespmem:s17], [sflag:$0x8] =	stream.indirect.gather [hbm4b:s31+s14], $0x80, s25, s14, $0xb8;
	[tilespmem:$0x1BE00] =	vst v63  }
0x203: {  	s8 =	sshrl.u32 s8, $0x3  }
0x204: {  	s8 =	sadd.s32 s21, s8  }
0x205: {  	[tilespmem:s24], [sflag:$0x1] =	stream.linear.gather [hbm4b:s8+s5], $0x50, $0x38;
	[tilespmem:$0x1BE00] =	vst v63  }
0x206: {  	s8 =	sadd.s32 $0x9C40, s8  }
0x207: {  	[tilespmem:s16], [sflag:$0x1] =	stream.linear.gather [hbm4b:s8+s5], $0x50, $0x38;
	[tilespmem:$0x1BE00] =	vst v63  }
0x208: {  	_ =	swait.ge [sflag:s6], $0x2800  }
0x209: {  	[sflag:s6] =	ssyncset.done $0x0  }
0x20a: {  	[sflag:s6] =	ssyncadd.s32 $0xFFFFD800  }
0x20b: {  	_ =	swait.ge [sflag:s19], $0x2800  }
0x20c: {  	[sflag:s19] =	ssyncset.done $0x0  }
0x20d: {  	[sflag:s19] =	ssyncadd.s32 $0xFFFFD800;
	s19 =	simm.s32 $0x6  }
0x20e: {  	[spmem:s4] =	stream.indirect.scatter.add.f32 [tilespmem:s15], [sflag:$0xA], $0x80, s20, s14, $0xb8;
	[tilespmem:$0x1BE00] =	vst v63  }
0x20f: {  	_ =	swait.ge [sflag:s19], $0x50  }
0x210: {  	[sflag:s19] =	ssyncset.done $0x0  }
0x211: {  	s7 =	smin.u32 s7, $0x6F;
	[sflag:s19] =	ssyncadd.s32 $0xFFFFFFB0  }
0x212: {  	s7 =	smul.u32 $0x50, s7;
	_ =	swait.ge [sflag:s19], $0x50  }
0x213: {  	[sflag:s19] =	ssyncset.done $0x0;
	s20 =	rddreg [dreg:$0x7]  }
0x214: {  	[sflag:s19] =	ssyncadd.s32 $0xFFFFFFB0;
	s7 =	sadd.s32 s7, s20  }
0x215: {  	[tilespmem:s18], [sflag:$0x9] =	stream.indirect.gather [hbm4b:s31+s14], $0x80, s10, s14, $0xb8;
	[tilespmem:$0x1BE00] =	vst v63  }
0x216: {  	s7 =	sshrl.u32 s7, $0x3  }
0x217: {  	s7 =	sadd.s32 s21, s7  }
0x218: {  	[tilespmem:s2], [sflag:$0x2] =	stream.linear.gather [hbm4b:s7+s5], $0x50, $0x38;
	[tilespmem:$0x1BE00] =	vst v63  }
0x219: {  	s7 =	sadd.s32 $0x9C40, s7  }
0x21a: {  	[tilespmem:s30], [sflag:$0x2] =	stream.linear.gather [hbm4b:s7+s5], $0x50, $0x38;
	[tilespmem:$0x1BE00] =	vst v63  }
0x21b: {  	_ =	swait.ge [sflag:s26], $0x2800  }
0x21c: {  	[sflag:s26] =	ssyncset.done $0x0  }
0x21d: {  	[sflag:s26] =	ssyncadd.s32 $0xFFFFD800  }
0x21e: {  	_ =	swait.ge [sflag:s11], $0x2800  }
0x21f: {  	[sflag:s11] =	ssyncset.done $0x0  }
0x220: {  	s2 =	simm.s32 $0x1;
	[sflag:s11] =	ssyncadd.s32 $0xFFFFD800  }
0x221: {  	[spmem:s4] =	stream.indirect.scatter.add.f32 [tilespmem:s17], [sflag:$0xB], $0x80, s12, s14, $0xb8;
	[tilespmem:$0x1BE00] =	vst v63  }
0x222: {  	_ =	swait.ge [sflag:s2], $0x50  }
0x223: {  	[sflag:s2] =	ssyncset.done $0x0  }
0x224: {  	[sflag:s2] =	ssyncadd.s32 $0xFFFFFFB0  }
0x225: {  	_ =	swait.ge [sflag:s2], $0x50  }
0x226: {  	[sflag:s2] =	ssyncset.done $0x0  }
0x227: {  	[sflag:s2] =	ssyncadd.s32 $0xFFFFFFB0  }
0x228: {  	[tilespmem:s15], [sflag:$0x7] =	stream.indirect.gather [hbm4b:s31+s14], $0x80, s24, s14, $0xb8;
	[tilespmem:$0x1BE00] =	vst v63  }
0x229: {  	_ =	swait.ge [sflag:s23], $0x2800  }
0x22a: {  	[sflag:s23] =	ssyncset.done $0x0  }
0x22b: {  	[sflag:s23] =	ssyncadd.s32 $0xFFFFD800  }
0x22c: {  	_ =	swait.ge [sflag:s13], $0x2800  }
0x22d: {  	[sflag:s13] =	ssyncset.done $0x0  }
0x22e: {  	[sflag:s13] =	ssyncadd.s32 $0xFFFFD800  }
0x22f: {  	_ =	swait.ge [sflag:s6], $0x2800  }
0x230: {  	[sflag:s6] =	ssyncset.done $0x0  }
0x231: {  	[sflag:s6] =	ssyncadd.s32 $0xFFFFD800  }
0x232: {  	_ =	swait.ge [sflag:s22], $0x50  }
0x233: {  	[sflag:s22] =	ssyncset.done $0x0  }
0x234: {  	[sflag:s22] =	ssyncadd.s32 $0xFFFFFFB0  }
0x235: {  	_ =	swait.ge [sflag:s22], $0x50  }
0x236: {  	[sflag:s22] =	ssyncset.done $0x0  }
0x237: {  	[sflag:s22] =	ssyncadd.s32 $0xFFFFFFB0  }
0x238: {  	s24 =	stileid.u32;
	[bflag:$0x0] =	sbarrier.arrive $0xFFFF  }
0x239: {  	s9 =	simm.s32 $0xD;
	s7 =	sshll.u32 s24, $0x6;
	s20 =	rddreg [dreg:$0x13]  }
0x23a: {  	s7 =	sor.u32 $0x1C0D, s7;
	s26 =	rddreg [dreg:$0x1c];
	s25 =	sshrl.u32 s20, $0x3  }
0x23b: {  	[hbm:s26], [sflag:s7] =	dma.local [spmem:s25], $0x2800  }
0x23c: {  	_ =	swait.ge [sflag:s9], $0x2800  }
0x23d: {  	s28 =	sld [smem:$0x7F5]  }
0x23e: {  	s29 =	sld [smem:$0x7F7];
	_ =	sdelay $0x1  }
0x23f: {  	s8 =	sadd.s32 $0x1, s28  }
0x240: {  	p0 =	sne.s32 s8, s29  }
.Ltmp2:
0x241: {  	_ = 	snop;
	(pc) =	sbr.rel @p0 .LBB2_1-.Ltmp2, $4  }
0x242: {  	s0 =	simm.s32 $0x14400;
	s16 =	smov.u32 s4  }
0x243: {  	s10 =	simm.s32 $0x14000;
	s30 =	simm.s32 $0x14080;
	s12 =	simm.s32 $0x14300  }
0x244: {  	s31 =	simm.s32 $0x14180;
	s24 =	simm.s32 $0x14380;
	[sflag:s9] =	ssyncset.done $0x0  }
0x245: {  	s13 =	simm.s32 $0x2;
	s25 =	simm.s32 $0x14100;
	[sflag:s9] =	ssyncadd.s32 $0xFFFFD800  }
0x246: {  	_ =	sfence.sel $0x180000  }
0x247: {  	[bflag:$0x0] =	sbarrier.arrive $0xFFFF  }
0x248: {  	_ =	strace $0x90000047  }
0x249: {  	s0 =	stileid.u32;
	[bflag:$0x2] =	sbarrier.arrive $0xFFFF  }
0x24a: {  	p0 =	sne.s32 s0, $0x0;
	s0 =	rddreg [dreg:$0x4]  }
0x24b: {  	s0 =	sadd.s32 @!p0 $0x100000, s0  }
0x24c: {  	[sflag:s0] =	ssyncadd.tile.s32 @!p0 $0x1;
	_ =	shalt  }
.Lfunc_end2:
_tile_overlayer_lowered:
.L_overlay_start_2:
0x24d: {  	(tag) =	ssettag $0x2  }
0x24e: {  	s0 =	rddreg [dreg:$0x0];
	s2 =	stileid.u32  }
0x24f: {  	s1 =	rddreg [dreg:$0x1];
	p0 =	sne.s32 s2, $0x0  }
0x250: {  	s3 =	rddreg [dreg:$0x2];
	[bflag:$0x3] =	sbarrier.arrive $0xFFFF;
	s2 =	simm.s32 @!p0 $0x1C0D  }
0x251: {  	[timem:s3], [sflag:s2] =	dma.local @!p0 [hbm:s0], s1  }
0x252: {  	s0 =	simm.s32 @!p0 $0xD  }
0x253: {  	_ =	swait.ge @!p0 [sflag:s0], s1  }
0x254: {  	s1 =	ssub.s32 @!p0 $0x0, s1;
	[sflag:s0] =	ssyncset.done @!p0 $0x0  }
0x255: {  	[sflag:s0] =	ssyncadd.s32 @!p0 s1  }
0x256: {  	[bflag:$0x3] =	sbarrier.arrive $0xFFFF  }
0x257: {  	_ =	shalt  }

</sc_bundles>
